<compile_context>
chip_gen: v7x
topology: tpu7x:2x2x1
jax: 0.10.2.dev20260603
libtpu: 0.0.44.dev20260713+nightly
codegen_flags: <defaults>
</compile_context>

<pallas_src>
import jax
import jax.numpy as jnp
from jax import lax
from jax.experimental import pallas as pl
from jax.experimental.pallas import tpu as pltpu
from jax.experimental.pallas import tpu_sc as plsc

D = 256
K = 21
B = 16384
NC, NS = 2, 16
NW = NC * NS
BPW = B // NW
C = 8
CH = BPW // C
KC = C * K
IDXW = 56
NG = KC // IDXW
DT = D // 16


def _sc_body(in_idx_hbm, oidx_hbm, w_inT_hbm, w_out_hbm, out_hbm,
             uidx_all, vidx_all,
             u_a, v_a, out_a, sem_a,
             u_b, v_b, out_b, sem_b):
    wid = lax.axis_index("s") * NC + lax.axis_index("c")
    base = wid * BPW
    last_lane = lax.broadcasted_iota(jnp.int32, (16,), 0) == 15

    pltpu.sync_copy(in_idx_hbm.at[pl.ds(base, BPW)], uidx_all)
    pltpu.sync_copy(oidx_hbm.at[pl.ds(base * K, BPW * K)], vidx_all)

    def issue(ci, u_rows, v_rows, sem):
        pltpu.async_copy(w_inT_hbm.at[uidx_all.at[pl.ds(ci * C, C)]],
                         u_rows, sem)
        for g in range(NG):
            pltpu.async_copy(
                w_out_hbm.at[vidx_all.at[pl.ds(ci * KC + g * IDXW, IDXW)]],
                v_rows.at[pl.ds(g * IDXW, IDXW)], sem)

    def drain(ci, u_rows, v_rows, sem):
        pltpu.make_async_copy(w_inT_hbm.at[uidx_all.at[pl.ds(ci * C, C)]],
                              u_rows, sem).wait()
        for g in range(NG):
            pltpu.make_async_copy(
                w_out_hbm.at[vidx_all.at[pl.ds(ci * KC + g * IDXW, IDXW)]],
                v_rows.at[pl.ds(g * IDXW, IDXW)], sem).wait()

    def compute(ci, u_rows, v_rows, out_buf):
        def sample(s, carry2):
            uvecs = [u_rows[s, pl.ds(16 * t, 16)] for t in range(DT)]

            def kdot(k, carry3):
                r = s * K + k
                accs = [v_rows[r, pl.ds(16 * t, 16)] * uvecs[t]
                        for t in range(4)]
                for t in range(4, DT):
                    accs[t % 4] = accs[t % 4] + (
                        v_rows[r, pl.ds(16 * t, 16)] * uvecs[t])
                tot = plsc.cumsum((accs[0] + accs[1]) + (accs[2] + accs[3]))
                plsc.store_scatter(out_buf, [jnp.full((16,), r, jnp.int32)],
                                   tot, mask=last_lane)
                return carry3

            lax.fori_loop(0, K, kdot, 0)
            return carry2

        lax.fori_loop(0, C, sample, 0)
        sb = base + ci * C
        pltpu.sync_copy(out_buf, out_hbm.at[pl.ds(sb * K, KC)])

    issue(0, u_a, v_a, sem_a)
    issue(1, u_b, v_b, sem_b)

    def pair(t, carry):
        ca = 2 * t
        drain(ca, u_a, v_a, sem_a)
        compute(ca, u_a, v_a, out_a)
        issue(jnp.minimum(ca + 2, CH - 1), u_a, v_a, sem_a)
        drain(ca + 1, u_b, v_b, sem_b)
        compute(ca + 1, u_b, v_b, out_b)
        issue(jnp.minimum(ca + 3, CH - 1), u_b, v_b, sem_b)
        return carry

    lax.fori_loop(0, CH // 2, pair, 0)
    drain(CH - 1, u_a, v_a, sem_a)
    drain(CH - 1, u_b, v_b, sem_b)


def _sc_predictions(in_idx, oidx, w_inT, w_out):
    mesh = plsc.VectorSubcoreMesh(core_axis_name="c", subcore_axis_name="s",
                                  num_cores=NC, num_subcores=NS)
    idx_set = [
        pltpu.VMEM((BPW,), jnp.int32),
        pltpu.VMEM((BPW * K,), jnp.int32),
    ]
    buf_set = [
        pltpu.VMEM((C, D), jnp.float32),
        pltpu.VMEM((KC, D), jnp.float32),
        pltpu.VMEM((KC,), jnp.float32),
        pltpu.SemaphoreType.DMA,
    ]
    f = pl.kernel(
        _sc_body,
        out_type=jax.ShapeDtypeStruct((B * K,), jnp.float32),
        mesh=mesh,
        scratch_types=idx_set + buf_set + buf_set,
        compiler_params=pltpu.CompilerParams(needs_layout_passes=False),
    )
    return f(in_idx, oidx, w_inT, w_out)


@jax.jit
def kernel(input_index_batch, output_indices_batch, W_in, W_out):
    in_idx = input_index_batch.astype(jnp.int32)
    oidx = output_indices_batch.astype(jnp.int32).reshape(B * K)
    w_inT = W_in.T
    flat = _sc_predictions(in_idx, oidx, w_inT, w_out=W_out)
    return flat.reshape(B, K)

# --- scband reference (transcript-rebuilt; emitter-appended) ---
"""Pipeline reference for scband-word2-vec-27393301413987 (READ-ONLY COPY).

The authoritative reference and input builder live on the scoring server;
editing this copy changes nothing except your own understanding.
"""

import jax, jax.numpy as jnp
import numpy as np

WORDVEC_DIM = 256
NUM_TOKENS = 100000
BATCH = 16384
NSAMP = 21  # num_negative_samples + 1


def setup_inputs(seed: int = 0) -> dict:
    key = jax.random.key(seed)
    k1, k2, k3, k4 = jax.random.split(key, 4)
    input_index_batch = jax.random.randint(k1, (BATCH,), 0, NUM_TOKENS)
    output_indices_batch = jax.random.randint(k2, (BATCH, NSAMP), 0, NUM_TOKENS)
    # nn.Linear(num_tokens, WORDVEC_DIM).weight has shape [WORDVEC_DIM, num_tokens]
    W_in = jax.random.normal(k3, (WORDVEC_DIM, NUM_TOKENS), dtype=jnp.float32) * 0.02
    # nn.Linear(WORDVEC_DIM, num_tokens).weight has shape [num_tokens, WORDVEC_DIM]
    W_out = jax.random.normal(k4, (NUM_TOKENS, WORDVEC_DIM), dtype=jnp.float32) * 0.02
    return {
        "input_index_batch": input_index_batch,
        "output_indices_batch": output_indices_batch,
        "W_in": W_in,
        "W_out": W_out,
    }


def reference(input_index_batch, output_indices_batch, W_in, W_out):
    # Vectorized, mathematically identical to the per-sample torch loop:
    #   u_i = W_in[:, input_index_batch[i]]                 -> [D]
    #   v_i = W_out[output_indices_batch[i], :]             -> [K, D]
    #   pred_i = v_i @ u_i                                  -> [K]
    u = jnp.take(W_in, input_index_batch, axis=1)           # [D, B]
    v = jnp.take(W_out, output_indices_batch, axis=0)       # [B, K, D]
    predictions = jnp.einsum('bkd,db->bk', v, u)            # [B, K]
    return predictions

if __name__ == "__main__":
    import jax
    _d = setup_inputs()
    print(jax.jit(kernel)(*tuple(_d.values())))

</pallas_src>

<mosaic_0001>
#map = affine_map<(d0, d1) -> (0)>
#map1 = affine_map<(d0, d1) -> (0, 0)>
module attributes {stable_mosaic.version = 14 : i64} {
  func.func @_sc_body(%arg0: i32, %arg1: i32, %arg2: memref<16384xi32, #tpu.memory_space<hbm>>, %arg3: memref<344064xi32, #tpu.memory_space<hbm>>, %arg4: memref<100000x256xf32, #tpu.memory_space<hbm>>, %arg5: memref<100000x256xf32, #tpu.memory_space<hbm>>, %arg6: memref<344064xf32, #tpu.memory_space<hbm>>, %arg7: memref<512xi32, #tpu.memory_space<vmem>>, %arg8: memref<10752xi32, #tpu.memory_space<vmem>>, %arg9: memref<8x256xf32, #tpu.memory_space<vmem>>, %arg10: memref<168x256xf32, #tpu.memory_space<vmem>>, %arg11: memref<168xf32, #tpu.memory_space<vmem>>, %arg12: memref<!tpu.dma_semaphore, #tpu.memory_space<semaphore_mem>>, %arg13: memref<8x256xf32, #tpu.memory_space<vmem>>, %arg14: memref<168x256xf32, #tpu.memory_space<vmem>>, %arg15: memref<168xf32, #tpu.memory_space<vmem>>, %arg16: memref<!tpu.dma_semaphore, #tpu.memory_space<semaphore_mem>>) attributes {dimension_semantics = [#tpu.dimension_semantics<core_parallel>, #tpu.dimension_semantics<subcore_parallel>], iteration_bounds = array<i64: 2, 16>, scalar_prefetch = 0 : i64, scratch_operands = 10 : i64, tpu.core_type = #tpu.core_type<sc_vector_subcore>, window_params = [{transform_indices = #map}, {transform_indices = #map}, {transform_indices = #map1}, {transform_indices = #map1}, {transform_indices = #map}]} {
    %mul3A = arith.constant 2 : i32
    %mul3A_0 = arith.muli %arg1, %mul3A : i32
    %add3A = arith.addi %mul3A_0, %arg0 : i32
    %mul3A_1 = arith.constant 512 : i32
    %mul3A_2 = arith.muli %add3A, %mul3A_1 : i32
    %iota3A = tpu.iota {dimensions = array<i32: 0>} : vector<16xi32>
    %eq3A = arith.constant 15 : i32
    %eq3A_3 = vector.broadcast %eq3A : i32 to vector<16xi32>
    %eq3A_4 = arith.cmpi eq, %iota3A, %eq3A_3 : vector<16xi32>
    "tpu.region"() ({
      %run_scoped3A = tpu.sem_alloc : memref<!tpu.dma_semaphore, #tpu.memory_space<semaphore_mem>>
      %dma_start3A_126 = tpu.memref_slice %arg2[%mul3A_2] : memref<16384xi32, #tpu.memory_space<hbm>> -> memref<512xi32, #tpu.memory_space<hbm>>
      %dma_start3A_127 = tpu.memref_slice %arg2[%mul3A_2] : memref<16384xi32, #tpu.memory_space<hbm>> -> memref<512xi32, #tpu.memory_space<hbm>>
      tpu.enqueue_dma source(%dma_start3A_127 : memref<512xi32, #tpu.memory_space<hbm>>) target(%arg7 : memref<512xi32, #tpu.memory_space<vmem>>) target_semaphore(%run_scoped3A : memref<!tpu.dma_semaphore, #tpu.memory_space<semaphore_mem>>)
      %dma_wait3A_128 = tpu.memref_slice %arg2[%mul3A_2] : memref<16384xi32, #tpu.memory_space<hbm>> -> memref<512xi32, #tpu.memory_space<hbm>>
      %dma_wait3A_129 = tpu.memref_slice %arg2[%mul3A_2] : memref<16384xi32, #tpu.memory_space<hbm>> -> memref<512xi32, #tpu.memory_space<hbm>>
      tpu.wait_dma2 semaphore(%run_scoped3A : memref<!tpu.dma_semaphore, #tpu.memory_space<semaphore_mem>>) src(%dma_wait3A_129 : memref<512xi32, #tpu.memory_space<hbm>>) dst(%arg7 : memref<512xi32, #tpu.memory_space<vmem>>)
      tpu.yield
    }) : () -> ()
    %mul3A_5 = arith.constant 21 : i32
    %mul3A_6 = arith.muli %mul3A_2, %mul3A_5 : i32
    "tpu.region"() ({
      %run_scoped3A = tpu.sem_alloc : memref<!tpu.dma_semaphore, #tpu.memory_space<semaphore_mem>>
      %dma_start3A_126 = tpu.memref_slice %arg3[%mul3A_6] : memref<344064xi32, #tpu.memory_space<hbm>> -> memref<10752xi32, #tpu.memory_space<hbm>>
      %dma_start3A_127 = tpu.memref_slice %arg3[%mul3A_6] : memref<344064xi32, #tpu.memory_space<hbm>> -> memref<10752xi32, #tpu.memory_space<hbm>>
      tpu.enqueue_dma source(%dma_start3A_127 : memref<10752xi32, #tpu.memory_space<hbm>>) target(%arg8 : memref<10752xi32, #tpu.memory_space<vmem>>) target_semaphore(%run_scoped3A : memref<!tpu.dma_semaphore, #tpu.memory_space<semaphore_mem>>)
      %dma_wait3A_128 = tpu.memref_slice %arg3[%mul3A_6] : memref<344064xi32, #tpu.memory_space<hbm>> -> memref<10752xi32, #tpu.memory_space<hbm>>
      %dma_wait3A_129 = tpu.memref_slice %arg3[%mul3A_6] : memref<344064xi32, #tpu.memory_space<hbm>> -> memref<10752xi32, #tpu.memory_space<hbm>>
      tpu.wait_dma2 semaphore(%run_scoped3A : memref<!tpu.dma_semaphore, #tpu.memory_space<semaphore_mem>>) src(%dma_wait3A_129 : memref<10752xi32, #tpu.memory_space<hbm>>) dst(%arg8 : memref<10752xi32, #tpu.memory_space<vmem>>)
      tpu.yield
    }) : () -> ()
    %dma_start3A = arith.constant 0 : i32
    %dma_start3A_7 = tpu.memref_slice %arg7[%dma_start3A] : memref<512xi32, #tpu.memory_space<vmem>> -> memref<8xi32, #tpu.memory_space<vmem>>
    %dma_start3A_8 = arith.constant 0 : i32
    %dma_start3A_9 = arith.constant 0 : i32
    %dma_start3A_10 = tpu.memref_slice %arg4[%dma_start3A_8, %dma_start3A_9] : memref<100000x256xf32, #tpu.memory_space<hbm>> -> memref<100000x256xf32, #tpu.memory_space<hbm>>
    tpu.enqueue_indirect_dma source(%dma_start3A_10 : memref<100000x256xf32, #tpu.memory_space<hbm>>) target(%arg9 : memref<8x256xf32, #tpu.memory_space<vmem>>) offsets(%dma_start3A_7 : memref<8xi32, #tpu.memory_space<vmem>>) semaphore(%arg12 : memref<!tpu.dma_semaphore, #tpu.memory_space<semaphore_mem>>)
    %dma_start3A_11 = arith.constant 0 : i32
    %dma_start3A_12 = arith.constant 0 : i32
    %dma_start3A_13 = tpu.memref_slice %arg10[%dma_start3A_11, %dma_start3A_12] : memref<168x256xf32, #tpu.memory_space<vmem>> -> memref<56x256xf32, #tpu.memory_space<vmem>>
    %dma_start3A_14 = arith.constant 0 : i32
    %dma_start3A_15 = tpu.memref_slice %arg8[%dma_start3A_14] : memref<10752xi32, #tpu.memory_space<vmem>> -> memref<56xi32, #tpu.memory_space<vmem>>
    %dma_start3A_16 = arith.constant 0 : i32
    %dma_start3A_17 = arith.constant 0 : i32
    %dma_start3A_18 = tpu.memref_slice %arg5[%dma_start3A_16, %dma_start3A_17] : memref<100000x256xf32, #tpu.memory_space<hbm>> -> memref<100000x256xf32, #tpu.memory_space<hbm>>
    tpu.enqueue_indirect_dma source(%dma_start3A_18 : memref<100000x256xf32, #tpu.memory_space<hbm>>) target(%dma_start3A_13 : memref<56x256xf32, #tpu.memory_space<vmem>>) offsets(%dma_start3A_15 : memref<56xi32, #tpu.memory_space<vmem>>) semaphore(%arg12 : memref<!tpu.dma_semaphore, #tpu.memory_space<semaphore_mem>>)
    %dma_start3A_19 = arith.constant 56 : i32
    %dma_start3A_20 = arith.constant 0 : i32
    %dma_start3A_21 = tpu.memref_slice %arg10[%dma_start3A_19, %dma_start3A_20] : memref<168x256xf32, #tpu.memory_space<vmem>> -> memref<56x256xf32, #tpu.memory_space<vmem>>
    %dma_start3A_22 = arith.constant 56 : i32
    %dma_start3A_23 = tpu.memref_slice %arg8[%dma_start3A_22] : memref<10752xi32, #tpu.memory_space<vmem>> -> memref<56xi32, #tpu.memory_space<vmem>>
    %dma_start3A_24 = arith.constant 0 : i32
    %dma_start3A_25 = arith.constant 0 : i32
    %dma_start3A_26 = tpu.memref_slice %arg5[%dma_start3A_24, %dma_start3A_25] : memref<100000x256xf32, #tpu.memory_space<hbm>> -> memref<100000x256xf32, #tpu.memory_space<hbm>>
    tpu.enqueue_indirect_dma source(%dma_start3A_26 : memref<100000x256xf32, #tpu.memory_space<hbm>>) target(%dma_start3A_21 : memref<56x256xf32, #tpu.memory_space<vmem>>) offsets(%dma_start3A_23 : memref<56xi32, #tpu.memory_space<vmem>>) semaphore(%arg12 : memref<!tpu.dma_semaphore, #tpu.memory_space<semaphore_mem>>)
    %dma_start3A_27 = arith.constant 112 : i32
    %dma_start3A_28 = arith.constant 0 : i32
    %dma_start3A_29 = tpu.memref_slice %arg10[%dma_start3A_27, %dma_start3A_28] : memref<168x256xf32, #tpu.memory_space<vmem>> -> memref<56x256xf32, #tpu.memory_space<vmem>>
    %dma_start3A_30 = arith.constant 112 : i32
    %dma_start3A_31 = tpu.memref_slice %arg8[%dma_start3A_30] : memref<10752xi32, #tpu.memory_space<vmem>> -> memref<56xi32, #tpu.memory_space<vmem>>
    %dma_start3A_32 = arith.constant 0 : i32
    %dma_start3A_33 = arith.constant 0 : i32
    %dma_start3A_34 = tpu.memref_slice %arg5[%dma_start3A_32, %dma_start3A_33] : memref<100000x256xf32, #tpu.memory_space<hbm>> -> memref<100000x256xf32, #tpu.memory_space<hbm>>
    tpu.enqueue_indirect_dma source(%dma_start3A_34 : memref<100000x256xf32, #tpu.memory_space<hbm>>) target(%dma_start3A_29 : memref<56x256xf32, #tpu.memory_space<vmem>>) offsets(%dma_start3A_31 : memref<56xi32, #tpu.memory_space<vmem>>) semaphore(%arg12 : memref<!tpu.dma_semaphore, #tpu.memory_space<semaphore_mem>>)
    %dma_start3A_35 = arith.constant 8 : i32
    %dma_start3A_36 = tpu.memref_slice %arg7[%dma_start3A_35] : memref<512xi32, #tpu.memory_space<vmem>> -> memref<8xi32, #tpu.memory_space<vmem>>
    %dma_start3A_37 = arith.constant 0 : i32
    %dma_start3A_38 = arith.constant 0 : i32
    %dma_start3A_39 = tpu.memref_slice %arg4[%dma_start3A_37, %dma_start3A_38] : memref<100000x256xf32, #tpu.memory_space<hbm>> -> memref<100000x256xf32, #tpu.memory_space<hbm>>
    tpu.enqueue_indirect_dma source(%dma_start3A_39 : memref<100000x256xf32, #tpu.memory_space<hbm>>) target(%arg13 : memref<8x256xf32, #tpu.memory_space<vmem>>) offsets(%dma_start3A_36 : memref<8xi32, #tpu.memory_space<vmem>>) semaphore(%arg16 : memref<!tpu.dma_semaphore, #tpu.memory_space<semaphore_mem>>)
    %dma_start3A_40 = arith.constant 0 : i32
    %dma_start3A_41 = arith.constant 0 : i32
    %dma_start3A_42 = tpu.memref_slice %arg14[%dma_start3A_40, %dma_start3A_41] : memref<168x256xf32, #tpu.memory_space<vmem>> -> memref<56x256xf32, #tpu.memory_space<vmem>>
    %dma_start3A_43 = arith.constant 168 : i32
    %dma_start3A_44 = tpu.memref_slice %arg8[%dma_start3A_43] : memref<10752xi32, #tpu.memory_space<vmem>> -> memref<56xi32, #tpu.memory_space<vmem>>
    %dma_start3A_45 = arith.constant 0 : i32
    %dma_start3A_46 = arith.constant 0 : i32
    %dma_start3A_47 = tpu.memref_slice %arg5[%dma_start3A_45, %dma_start3A_46] : memref<100000x256xf32, #tpu.memory_space<hbm>> -> memref<100000x256xf32, #tpu.memory_space<hbm>>
    tpu.enqueue_indirect_dma source(%dma_start3A_47 : memref<100000x256xf32, #tpu.memory_space<hbm>>) target(%dma_start3A_42 : memref<56x256xf32, #tpu.memory_space<vmem>>) offsets(%dma_start3A_44 : memref<56xi32, #tpu.memory_space<vmem>>) semaphore(%arg16 : memref<!tpu.dma_semaphore, #tpu.memory_space<semaphore_mem>>)
    %dma_start3A_48 = arith.constant 56 : i32
    %dma_start3A_49 = arith.constant 0 : i32
    %dma_start3A_50 = tpu.memref_slice %arg14[%dma_start3A_48, %dma_start3A_49] : memref<168x256xf32, #tpu.memory_space<vmem>> -> memref<56x256xf32, #tpu.memory_space<vmem>>
    %dma_start3A_51 = arith.constant 224 : i32
    %dma_start3A_52 = tpu.memref_slice %arg8[%dma_start3A_51] : memref<10752xi32, #tpu.memory_space<vmem>> -> memref<56xi32, #tpu.memory_space<vmem>>
    %dma_start3A_53 = arith.constant 0 : i32
    %dma_start3A_54 = arith.constant 0 : i32
    %dma_start3A_55 = tpu.memref_slice %arg5[%dma_start3A_53, %dma_start3A_54] : memref<100000x256xf32, #tpu.memory_space<hbm>> -> memref<100000x256xf32, #tpu.memory_space<hbm>>
    tpu.enqueue_indirect_dma source(%dma_start3A_55 : memref<100000x256xf32, #tpu.memory_space<hbm>>) target(%dma_start3A_50 : memref<56x256xf32, #tpu.memory_space<vmem>>) offsets(%dma_start3A_52 : memref<56xi32, #tpu.memory_space<vmem>>) semaphore(%arg16 : memref<!tpu.dma_semaphore, #tpu.memory_space<semaphore_mem>>)
    %dma_start3A_56 = arith.constant 112 : i32
    %dma_start3A_57 = arith.constant 0 : i32
    %dma_start3A_58 = tpu.memref_slice %arg14[%dma_start3A_56, %dma_start3A_57] : memref<168x256xf32, #tpu.memory_space<vmem>> -> memref<56x256xf32, #tpu.memory_space<vmem>>
    %dma_start3A_59 = arith.constant 280 : i32
    %dma_start3A_60 = tpu.memref_slice %arg8[%dma_start3A_59] : memref<10752xi32, #tpu.memory_space<vmem>> -> memref<56xi32, #tpu.memory_space<vmem>>
    %dma_start3A_61 = arith.constant 0 : i32
    %dma_start3A_62 = arith.constant 0 : i32
    %dma_start3A_63 = tpu.memref_slice %arg5[%dma_start3A_61, %dma_start3A_62] : memref<100000x256xf32, #tpu.memory_space<hbm>> -> memref<100000x256xf32, #tpu.memory_space<hbm>>
    tpu.enqueue_indirect_dma source(%dma_start3A_63 : memref<100000x256xf32, #tpu.memory_space<hbm>>) target(%dma_start3A_58 : memref<56x256xf32, #tpu.memory_space<vmem>>) offsets(%dma_start3A_60 : memref<56xi32, #tpu.memory_space<vmem>>) semaphore(%arg16 : memref<!tpu.dma_semaphore, #tpu.memory_space<semaphore_mem>>)
    %scan3A = arith.constant 0 : i32
    %scan3A_64 = arith.constant 0 : i32
    %scan3A_65 = arith.constant 32 : i32
    %scan3A_66 = arith.addi %scan3A_64, %scan3A_65 : i32
    %scan3A_67 = arith.constant 1 : i32
    scf.for %scan3A_126 = %scan3A_64 to %scan3A_66 step %scan3A_67  : i32 {
      %mul3A_127 = arith.constant 2 : i32
      %mul3A_128 = arith.muli %mul3A_127, %scan3A_126 : i32
      %mul3A_129 = arith.constant 8 : i32
      %mul3A_130 = arith.muli %mul3A_128, %mul3A_129 : i32
      %dma_wait3A_131 = tpu.memref_slice %arg7[%mul3A_130] : memref<512xi32, #tpu.memory_space<vmem>> -> memref<8xi32, #tpu.memory_space<vmem>>
      %dma_wait3A_132 = arith.constant 0 : i32
      %dma_wait3A_133 = arith.constant 0 : i32
      %dma_wait3A_134 = tpu.memref_slice %arg4[%dma_wait3A_132, %dma_wait3A_133] : memref<100000x256xf32, #tpu.memory_space<hbm>> -> memref<100000x256xf32, #tpu.memory_space<hbm>>
      tpu.wait_indirect_dma semaphore(%arg12 : memref<!tpu.dma_semaphore, #tpu.memory_space<semaphore_mem>>) src(%dma_wait3A_134 : memref<100000x256xf32, #tpu.memory_space<hbm>>) dst(%arg9 : memref<8x256xf32, #tpu.memory_space<vmem>>)
      %mul3A_135 = arith.constant 168 : i32
      %mul3A_136 = arith.muli %mul3A_128, %mul3A_135 : i32
      %add3A_137 = arith.constant 0 : i32
      %add3A_138 = arith.addi %mul3A_136, %add3A_137 : i32
      %dma_wait3A_139 = arith.constant 0 : i32
      %dma_wait3A_140 = arith.constant 0 : i32
      %dma_wait3A_141 = tpu.memref_slice %arg10[%dma_wait3A_139, %dma_wait3A_140] : memref<168x256xf32, #tpu.memory_space<vmem>> -> memref<56x256xf32, #tpu.memory_space<vmem>>
      %dma_wait3A_142 = tpu.memref_slice %arg8[%add3A_138] : memref<10752xi32, #tpu.memory_space<vmem>> -> memref<56xi32, #tpu.memory_space<vmem>>
      %dma_wait3A_143 = arith.constant 0 : i32
      %dma_wait3A_144 = arith.constant 0 : i32
      %dma_wait3A_145 = tpu.memref_slice %arg5[%dma_wait3A_143, %dma_wait3A_144] : memref<100000x256xf32, #tpu.memory_space<hbm>> -> memref<100000x256xf32, #tpu.memory_space<hbm>>
      tpu.wait_indirect_dma semaphore(%arg12 : memref<!tpu.dma_semaphore, #tpu.memory_space<semaphore_mem>>) src(%dma_wait3A_145 : memref<100000x256xf32, #tpu.memory_space<hbm>>) dst(%dma_wait3A_141 : memref<56x256xf32, #tpu.memory_space<vmem>>)
      %mul3A_146 = arith.constant 168 : i32
      %mul3A_147 = arith.muli %mul3A_128, %mul3A_146 : i32
      %add3A_148 = arith.constant 56 : i32
      %add3A_149 = arith.addi %mul3A_147, %add3A_148 : i32
      %dma_wait3A_150 = arith.constant 56 : i32
      %dma_wait3A_151 = arith.constant 0 : i32
      %dma_wait3A_152 = tpu.memref_slice %arg10[%dma_wait3A_150, %dma_wait3A_151] : memref<168x256xf32, #tpu.memory_space<vmem>> -> memref<56x256xf32, #tpu.memory_space<vmem>>
      %dma_wait3A_153 = tpu.memref_slice %arg8[%add3A_149] : memref<10752xi32, #tpu.memory_space<vmem>> -> memref<56xi32, #tpu.memory_space<vmem>>
      %dma_wait3A_154 = arith.constant 0 : i32
      %dma_wait3A_155 = arith.constant 0 : i32
      %dma_wait3A_156 = tpu.memref_slice %arg5[%dma_wait3A_154, %dma_wait3A_155] : memref<100000x256xf32, #tpu.memory_space<hbm>> -> memref<100000x256xf32, #tpu.memory_space<hbm>>
      tpu.wait_indirect_dma semaphore(%arg12 : memref<!tpu.dma_semaphore, #tpu.memory_space<semaphore_mem>>) src(%dma_wait3A_156 : memref<100000x256xf32, #tpu.memory_space<hbm>>) dst(%dma_wait3A_152 : memref<56x256xf32, #tpu.memory_space<vmem>>)
      %mul3A_157 = arith.constant 168 : i32
      %mul3A_158 = arith.muli %mul3A_128, %mul3A_157 : i32
      %add3A_159 = arith.constant 112 : i32
      %add3A_160 = arith.addi %mul3A_158, %add3A_159 : i32
      %dma_wait3A_161 = arith.constant 112 : i32
      %dma_wait3A_162 = arith.constant 0 : i32
      %dma_wait3A_163 = tpu.memref_slice %arg10[%dma_wait3A_161, %dma_wait3A_162] : memref<168x256xf32, #tpu.memory_space<vmem>> -> memref<56x256xf32, #tpu.memory_space<vmem>>
      %dma_wait3A_164 = tpu.memref_slice %arg8[%add3A_160] : memref<10752xi32, #tpu.memory_space<vmem>> -> memref<56xi32, #tpu.memory_space<vmem>>
      %dma_wait3A_165 = arith.constant 0 : i32
      %dma_wait3A_166 = arith.constant 0 : i32
      %dma_wait3A_167 = tpu.memref_slice %arg5[%dma_wait3A_165, %dma_wait3A_166] : memref<100000x256xf32, #tpu.memory_space<hbm>> -> memref<100000x256xf32, #tpu.memory_space<hbm>>
      tpu.wait_indirect_dma semaphore(%arg12 : memref<!tpu.dma_semaphore, #tpu.memory_space<semaphore_mem>>) src(%dma_wait3A_167 : memref<100000x256xf32, #tpu.memory_space<hbm>>) dst(%dma_wait3A_163 : memref<56x256xf32, #tpu.memory_space<vmem>>)
      %scan3A_168 = arith.constant 0 : i32
      %scan3A_169 = arith.constant 0 : i32
      %scan3A_170 = arith.constant 8 : i32
      %scan3A_171 = arith.addi %scan3A_169, %scan3A_170 : i32
      %scan3A_172 = arith.constant 1 : i32
      scf.for %scan3A_318 = %scan3A_169 to %scan3A_171 step %scan3A_172  : i32 {
        %get3A = arith.index_cast %scan3A_318 : i32 to index
        %get3A_319 = arith.constant 0 : index
        %get3A_320 = tpu.vector_load %arg9[%get3A, %get3A_319] {strides = array<i32>} : memref<8x256xf32, #tpu.memory_space<vmem>>, vector<16xf32>,
        %get3A_321 = arith.index_cast %scan3A_318 : i32 to index
        %get3A_322 = arith.constant 16 : index
        %get3A_323 = tpu.vector_load %arg9[%get3A_321, %get3A_322] {strides = array<i32>} : memref<8x256xf32, #tpu.memory_space<vmem>>, vector<16xf32>,
        %get3A_324 = arith.index_cast %scan3A_318 : i32 to index
        %get3A_325 = arith.constant 32 : index
        %get3A_326 = tpu.vector_load %arg9[%get3A_324, %get3A_325] {strides = array<i32>} : memref<8x256xf32, #tpu.memory_space<vmem>>, vector<16xf32>,
        %get3A_327 = arith.index_cast %scan3A_318 : i32 to index
        %get3A_328 = arith.constant 48 : index
        %get3A_329 = tpu.vector_load %arg9[%get3A_327, %get3A_328] {strides = array<i32>} : memref<8x256xf32, #tpu.memory_space<vmem>>, vector<16xf32>,
        %get3A_330 = arith.index_cast %scan3A_318 : i32 to index
        %get3A_331 = arith.constant 64 : index
        %get3A_332 = tpu.vector_load %arg9[%get3A_330, %get3A_331] {strides = array<i32>} : memref<8x256xf32, #tpu.memory_space<vmem>>, vector<16xf32>,
        %get3A_333 = arith.index_cast %scan3A_318 : i32 to index
        %get3A_334 = arith.constant 80 : index
        %get3A_335 = tpu.vector_load %arg9[%get3A_333, %get3A_334] {strides = array<i32>} : memref<8x256xf32, #tpu.memory_space<vmem>>, vector<16xf32>,
        %get3A_336 = arith.index_cast %scan3A_318 : i32 to index
        %get3A_337 = arith.constant 96 : index
        %get3A_338 = tpu.vector_load %arg9[%get3A_336, %get3A_337] {strides = array<i32>} : memref<8x256xf32, #tpu.memory_space<vmem>>, vector<16xf32>,
        %get3A_339 = arith.index_cast %scan3A_318 : i32 to index
        %get3A_340 = arith.constant 112 : index
        %get3A_341 = tpu.vector_load %arg9[%get3A_339, %get3A_340] {strides = array<i32>} : memref<8x256xf32, #tpu.memory_space<vmem>>, vector<16xf32>,
        %get3A_342 = arith.index_cast %scan3A_318 : i32 to index
        %get3A_343 = arith.constant 128 : index
        %get3A_344 = tpu.vector_load %arg9[%get3A_342, %get3A_343] {strides = array<i32>} : memref<8x256xf32, #tpu.memory_space<vmem>>, vector<16xf32>,
        %get3A_345 = arith.index_cast %scan3A_318 : i32 to index
        %get3A_346 = arith.constant 144 : index
        %get3A_347 = tpu.vector_load %arg9[%get3A_345, %get3A_346] {strides = array<i32>} : memref<8x256xf32, #tpu.memory_space<vmem>>, vector<16xf32>,
        %get3A_348 = arith.index_cast %scan3A_318 : i32 to index
        %get3A_349 = arith.constant 160 : index
        %get3A_350 = tpu.vector_load %arg9[%get3A_348, %get3A_349] {strides = array<i32>} : memref<8x256xf32, #tpu.memory_space<vmem>>, vector<16xf32>,
        %get3A_351 = arith.index_cast %scan3A_318 : i32 to index
        %get3A_352 = arith.constant 176 : index
        %get3A_353 = tpu.vector_load %arg9[%get3A_351, %get3A_352] {strides = array<i32>} : memref<8x256xf32, #tpu.memory_space<vmem>>, vector<16xf32>,
        %get3A_354 = arith.index_cast %scan3A_318 : i32 to index
        %get3A_355 = arith.constant 192 : index
        %get3A_356 = tpu.vector_load %arg9[%get3A_354, %get3A_355] {strides = array<i32>} : memref<8x256xf32, #tpu.memory_space<vmem>>, vector<16xf32>,
        %get3A_357 = arith.index_cast %scan3A_318 : i32 to index
        %get3A_358 = arith.constant 208 : index
        %get3A_359 = tpu.vector_load %arg9[%get3A_357, %get3A_358] {strides = array<i32>} : memref<8x256xf32, #tpu.memory_space<vmem>>, vector<16xf32>,
        %get3A_360 = arith.index_cast %scan3A_318 : i32 to index
        %get3A_361 = arith.constant 224 : index
        %get3A_362 = tpu.vector_load %arg9[%get3A_360, %get3A_361] {strides = array<i32>} : memref<8x256xf32, #tpu.memory_space<vmem>>, vector<16xf32>,
        %get3A_363 = arith.index_cast %scan3A_318 : i32 to index
        %get3A_364 = arith.constant 240 : index
        %get3A_365 = tpu.vector_load %arg9[%get3A_363, %get3A_364] {strides = array<i32>} : memref<8x256xf32, #tpu.memory_space<vmem>>, vector<16xf32>,
        %scan3A_366 = arith.constant 0 : i32
        %scan3A_367 = arith.constant 0 : i32
        %scan3A_368 = arith.constant 21 : i32
        %scan3A_369 = arith.addi %scan3A_367, %scan3A_368 : i32
        %scan3A_370 = arith.constant 1 : i32
        scf.for %scan3A_372 = %scan3A_367 to %scan3A_369 step %scan3A_370  : i32 {
          %mul3A_373 = arith.constant 21 : i32
          %mul3A_374 = arith.muli %scan3A_318, %mul3A_373 : i32
          %add3A_375 = arith.addi %mul3A_374, %scan3A_372 : i32
          %get3A_376 = arith.index_cast %add3A_375 : i32 to index
          %get3A_377 = arith.constant 0 : index
          %get3A_378 = tpu.vector_load %arg10[%get3A_376, %get3A_377] {strides = array<i32>} : memref<168x256xf32, #tpu.memory_space<vmem>>, vector<16xf32>,
          %mul3A_379 = arith.mulf %get3A_378, %get3A_320 : vector<16xf32>
          %get3A_380 = arith.index_cast %add3A_375 : i32 to index
          %get3A_381 = arith.constant 16 : index
          %get3A_382 = tpu.vector_load %arg10[%get3A_380, %get3A_381] {strides = array<i32>} : memref<168x256xf32, #tpu.memory_space<vmem>>, vector<16xf32>,
          %mul3A_383 = arith.mulf %get3A_382, %get3A_323 : vector<16xf32>
          %get3A_384 = arith.index_cast %add3A_375 : i32 to index
          %get3A_385 = arith.constant 32 : index
          %get3A_386 = tpu.vector_load %arg10[%get3A_384, %get3A_385] {strides = array<i32>} : memref<168x256xf32, #tpu.memory_space<vmem>>, vector<16xf32>,
          %mul3A_387 = arith.mulf %get3A_386, %get3A_326 : vector<16xf32>
          %get3A_388 = arith.index_cast %add3A_375 : i32 to index
          %get3A_389 = arith.constant 48 : index
          %get3A_390 = tpu.vector_load %arg10[%get3A_388, %get3A_389] {strides = array<i32>} : memref<168x256xf32, #tpu.memory_space<vmem>>, vector<16xf32>,
          %mul3A_391 = arith.mulf %get3A_390, %get3A_329 : vector<16xf32>
          %get3A_392 = arith.index_cast %add3A_375 : i32 to index
          %get3A_393 = arith.constant 64 : index
          %get3A_394 = tpu.vector_load %arg10[%get3A_392, %get3A_393] {strides = array<i32>} : memref<168x256xf32, #tpu.memory_space<vmem>>, vector<16xf32>,
          %mul3A_395 = arith.mulf %get3A_394, %get3A_332 : vector<16xf32>
          %add3A_396 = arith.addf %mul3A_379, %mul3A_395 : vector<16xf32>
          %get3A_397 = arith.index_cast %add3A_375 : i32 to index
          %get3A_398 = arith.constant 80 : index
          %get3A_399 = tpu.vector_load %arg10[%get3A_397, %get3A_398] {strides = array<i32>} : memref<168x256xf32, #tpu.memory_space<vmem>>, vector<16xf32>,
          %mul3A_400 = arith.mulf %get3A_399, %get3A_335 : vector<16xf32>
          %add3A_401 = arith.addf %mul3A_383, %mul3A_400 : vector<16xf32>
          %get3A_402 = arith.index_cast %add3A_375 : i32 to index
          %get3A_403 = arith.constant 96 : index
          %get3A_404 = tpu.vector_load %arg10[%get3A_402, %get3A_403] {strides = array<i32>} : memref<168x256xf32, #tpu.memory_space<vmem>>, vector<16xf32>,
          %mul3A_405 = arith.mulf %get3A_404, %get3A_338 : vector<16xf32>
          %add3A_406 = arith.addf %mul3A_387, %mul3A_405 : vector<16xf32>
          %get3A_407 = arith.index_cast %add3A_375 : i32 to index
          %get3A_408 = arith.constant 112 : index
          %get3A_409 = tpu.vector_load %arg10[%get3A_407, %get3A_408] {strides = array<i32>} : memref<168x256xf32, #tpu.memory_space<vmem>>, vector<16xf32>,
          %mul3A_410 = arith.mulf %get3A_409, %get3A_341 : vector<16xf32>
          %add3A_411 = arith.addf %mul3A_391, %mul3A_410 : vector<16xf32>
          %get3A_412 = arith.index_cast %add3A_375 : i32 to index
          %get3A_413 = arith.constant 128 : index
          %get3A_414 = tpu.vector_load %arg10[%get3A_412, %get3A_413] {strides = array<i32>} : memref<168x256xf32, #tpu.memory_space<vmem>>, vector<16xf32>,
          %mul3A_415 = arith.mulf %get3A_414, %get3A_344 : vector<16xf32>
          %add3A_416 = arith.addf %add3A_396, %mul3A_415 : vector<16xf32>
          %get3A_417 = arith.index_cast %add3A_375 : i32 to index
          %get3A_418 = arith.constant 144 : index
          %get3A_419 = tpu.vector_load %arg10[%get3A_417, %get3A_418] {strides = array<i32>} : memref<168x256xf32, #tpu.memory_space<vmem>>, vector<16xf32>,
          %mul3A_420 = arith.mulf %get3A_419, %get3A_347 : vector<16xf32>
          %add3A_421 = arith.addf %add3A_401, %mul3A_420 : vector<16xf32>
          %get3A_422 = arith.index_cast %add3A_375 : i32 to index
          %get3A_423 = arith.constant 160 : index
          %get3A_424 = tpu.vector_load %arg10[%get3A_422, %get3A_423] {strides = array<i32>} : memref<168x256xf32, #tpu.memory_space<vmem>>, vector<16xf32>,
          %mul3A_425 = arith.mulf %get3A_424, %get3A_350 : vector<16xf32>
          %add3A_426 = arith.addf %add3A_406, %mul3A_425 : vector<16xf32>
          %get3A_427 = arith.index_cast %add3A_375 : i32 to index
          %get3A_428 = arith.constant 176 : index
          %get3A_429 = tpu.vector_load %arg10[%get3A_427, %get3A_428] {strides = array<i32>} : memref<168x256xf32, #tpu.memory_space<vmem>>, vector<16xf32>,
          %mul3A_430 = arith.mulf %get3A_429, %get3A_353 : vector<16xf32>
          %add3A_431 = arith.addf %add3A_411, %mul3A_430 : vector<16xf32>
          %get3A_432 = arith.index_cast %add3A_375 : i32 to index
          %get3A_433 = arith.constant 192 : index
          %get3A_434 = tpu.vector_load %arg10[%get3A_432, %get3A_433] {strides = array<i32>} : memref<168x256xf32, #tpu.memory_space<vmem>>, vector<16xf32>,
          %mul3A_435 = arith.mulf %get3A_434, %get3A_356 : vector<16xf32>
          %add3A_436 = arith.addf %add3A_416, %mul3A_435 : vector<16xf32>
          %get3A_437 = arith.index_cast %add3A_375 : i32 to index
          %get3A_438 = arith.constant 208 : index
          %get3A_439 = tpu.vector_load %arg10[%get3A_437, %get3A_438] {strides = array<i32>} : memref<168x256xf32, #tpu.memory_space<vmem>>, vector<16xf32>,
          %mul3A_440 = arith.mulf %get3A_439, %get3A_359 : vector<16xf32>
          %add3A_441 = arith.addf %add3A_421, %mul3A_440 : vector<16xf32>
          %get3A_442 = arith.index_cast %add3A_375 : i32 to index
          %get3A_443 = arith.constant 224 : index
          %get3A_444 = tpu.vector_load %arg10[%get3A_442, %get3A_443] {strides = array<i32>} : memref<168x256xf32, #tpu.memory_space<vmem>>, vector<16xf32>,
          %mul3A_445 = arith.mulf %get3A_444, %get3A_362 : vector<16xf32>
          %add3A_446 = arith.addf %add3A_426, %mul3A_445 : vector<16xf32>
          %get3A_447 = arith.index_cast %add3A_375 : i32 to index
          %get3A_448 = arith.constant 240 : index
          %get3A_449 = tpu.vector_load %arg10[%get3A_447, %get3A_448] {strides = array<i32>} : memref<168x256xf32, #tpu.memory_space<vmem>>, vector<16xf32>,
          %mul3A_450 = arith.mulf %get3A_449, %get3A_365 : vector<16xf32>
          %add3A_451 = arith.addf %add3A_431, %mul3A_450 : vector<16xf32>
          %add3A_452 = arith.addf %add3A_436, %add3A_441 : vector<16xf32>
          %add3A_453 = arith.addf %add3A_446, %add3A_451 : vector<16xf32>
          %add3A_454 = arith.addf %add3A_452, %add3A_453 : vector<16xf32>
          %broadcast_in_dim3A = arith.constant true
          %broadcast_in_dim3A_455 = vector.broadcast %broadcast_in_dim3A : i1 to vector<16xi1>
          %masked_cumsum3A = tpu.scan <sum>, %add3A_454 masked %broadcast_in_dim3A_455 : vector<16xf32>, vector<16xi1> -> vector<16xf32>
          %broadcast_in_dim3A_456 = vector.broadcast %add3A_375 : i32 to vector<16xi32>
          tpu.vector_store_idx %arg11[%broadcast_in_dim3A_456], %masked_cumsum3A masked %eq3A_4 : memref<168xf32, #tpu.memory_space<vmem>>[vector<16xi32>], vector<16xf32>, vector<16xi1>
        }
        %scan3A_371 = arith.constant 21 : i32
      }
      %scan3A_173 = arith.constant 8 : i32
      %mul3A_174 = arith.constant 8 : i32
      %mul3A_175 = arith.muli %mul3A_128, %mul3A_174 : i32
      %add3A_176 = arith.addi %mul3A_2, %mul3A_175 : i32
      %mul3A_177 = arith.constant 21 : i32
      %mul3A_178 = arith.muli %add3A_176, %mul3A_177 : i32
      "tpu.region"() ({
        %run_scoped3A = tpu.sem_alloc : memref<!tpu.dma_semaphore, #tpu.memory_space<semaphore_mem>>
        %dma_start3A_318 = tpu.memref_slice %arg6[%mul3A_178] : memref<344064xf32, #tpu.memory_space<hbm>> -> memref<168xf32, #tpu.memory_space<hbm>>
        %dma_start3A_319 = tpu.memref_slice %arg6[%mul3A_178] : memref<344064xf32, #tpu.memory_space<hbm>> -> memref<168xf32, #tpu.memory_space<hbm>>
        tpu.enqueue_dma source(%arg11 : memref<168xf32, #tpu.memory_space<vmem>>) target(%dma_start3A_319 : memref<168xf32, #tpu.memory_space<hbm>>) target_semaphore(%run_scoped3A : memref<!tpu.dma_semaphore, #tpu.memory_space<semaphore_mem>>)
        %dma_wait3A_320 = tpu.memref_slice %arg6[%mul3A_178] : memref<344064xf32, #tpu.memory_space<hbm>> -> memref<168xf32, #tpu.memory_space<hbm>>
        %dma_wait3A_321 = tpu.memref_slice %arg6[%mul3A_178] : memref<344064xf32, #tpu.memory_space<hbm>> -> memref<168xf32, #tpu.memory_space<hbm>>
        tpu.wait_dma2 semaphore(%run_scoped3A : memref<!tpu.dma_semaphore, #tpu.memory_space<semaphore_mem>>) src(%arg11 : memref<168xf32, #tpu.memory_space<vmem>>) dst(%dma_wait3A_321 : memref<168xf32, #tpu.memory_space<hbm>>)
        tpu.yield
      }) : () -> ()
      %add3A_179 = arith.constant 2 : i32
      %add3A_180 = arith.addi %mul3A_128, %add3A_179 : i32
      %min3A = arith.constant 63 : i32
      %min3A_181 = arith.minsi %add3A_180, %min3A : i32
      %mul3A_182 = arith.constant 8 : i32
      %mul3A_183 = arith.muli %min3A_181, %mul3A_182 : i32
      %dma_start3A_184 = tpu.memref_slice %arg7[%mul3A_183] : memref<512xi32, #tpu.memory_space<vmem>> -> memref<8xi32, #tpu.memory_space<vmem>>
      %dma_start3A_185 = arith.constant 0 : i32
      %dma_start3A_186 = arith.constant 0 : i32
      %dma_start3A_187 = tpu.memref_slice %arg4[%dma_start3A_185, %dma_start3A_186] : memref<100000x256xf32, #tpu.memory_space<hbm>> -> memref<100000x256xf32, #tpu.memory_space<hbm>>
      tpu.enqueue_indirect_dma source(%dma_start3A_187 : memref<100000x256xf32, #tpu.memory_space<hbm>>) target(%arg9 : memref<8x256xf32, #tpu.memory_space<vmem>>) offsets(%dma_start3A_184 : memref<8xi32, #tpu.memory_space<vmem>>) semaphore(%arg12 : memref<!tpu.dma_semaphore, #tpu.memory_space<semaphore_mem>>)
      %mul3A_188 = arith.constant 168 : i32
      %mul3A_189 = arith.muli %min3A_181, %mul3A_188 : i32
      %add3A_190 = arith.constant 0 : i32
      %add3A_191 = arith.addi %mul3A_189, %add3A_190 : i32
      %dma_start3A_192 = arith.constant 0 : i32
      %dma_start3A_193 = arith.constant 0 : i32
      %dma_start3A_194 = tpu.memref_slice %arg10[%dma_start3A_192, %dma_start3A_193] : memref<168x256xf32, #tpu.memory_space<vmem>> -> memref<56x256xf32, #tpu.memory_space<vmem>>
      %dma_start3A_195 = tpu.memref_slice %arg8[%add3A_191] : memref<10752xi32, #tpu.memory_space<vmem>> -> memref<56xi32, #tpu.memory_space<vmem>>
      %dma_start3A_196 = arith.constant 0 : i32
      %dma_start3A_197 = arith.constant 0 : i32
      %dma_start3A_198 = tpu.memref_slice %arg5[%dma_start3A_196, %dma_start3A_197] : memref<100000x256xf32, #tpu.memory_space<hbm>> -> memref<100000x256xf32, #tpu.memory_space<hbm>>
      tpu.enqueue_indirect_dma source(%dma_start3A_198 : memref<100000x256xf32, #tpu.memory_space<hbm>>) target(%dma_start3A_194 : memref<56x256xf32, #tpu.memory_space<vmem>>) offsets(%dma_start3A_195 : memref<56xi32, #tpu.memory_space<vmem>>) semaphore(%arg12 : memref<!tpu.dma_semaphore, #tpu.memory_space<semaphore_mem>>)
      %mul3A_199 = arith.constant 168 : i32
      %mul3A_200 = arith.muli %min3A_181, %mul3A_199 : i32
      %add3A_201 = arith.constant 56 : i32
      %add3A_202 = arith.addi %mul3A_200, %add3A_201 : i32
      %dma_start3A_203 = arith.constant 56 : i32
      %dma_start3A_204 = arith.constant 0 : i32
      %dma_start3A_205 = tpu.memref_slice %arg10[%dma_start3A_203, %dma_start3A_204] : memref<168x256xf32, #tpu.memory_space<vmem>> -> memref<56x256xf32, #tpu.memory_space<vmem>>
      %dma_start3A_206 = tpu.memref_slice %arg8[%add3A_202] : memref<10752xi32, #tpu.memory_space<vmem>> -> memref<56xi32, #tpu.memory_space<vmem>>
      %dma_start3A_207 = arith.constant 0 : i32
      %dma_start3A_208 = arith.constant 0 : i32
      %dma_start3A_209 = tpu.memref_slice %arg5[%dma_start3A_207, %dma_start3A_208] : memref<100000x256xf32, #tpu.memory_space<hbm>> -> memref<100000x256xf32, #tpu.memory_space<hbm>>
      tpu.enqueue_indirect_dma source(%dma_start3A_209 : memref<100000x256xf32, #tpu.memory_space<hbm>>) target(%dma_start3A_205 : memref<56x256xf32, #tpu.memory_space<vmem>>) offsets(%dma_start3A_206 : memref<56xi32, #tpu.memory_space<vmem>>) semaphore(%arg12 : memref<!tpu.dma_semaphore, #tpu.memory_space<semaphore_mem>>)
      %mul3A_210 = arith.constant 168 : i32
      %mul3A_211 = arith.muli %min3A_181, %mul3A_210 : i32
      %add3A_212 = arith.constant 112 : i32
      %add3A_213 = arith.addi %mul3A_211, %add3A_212 : i32
      %dma_start3A_214 = arith.constant 112 : i32
      %dma_start3A_215 = arith.constant 0 : i32
      %dma_start3A_216 = tpu.memref_slice %arg10[%dma_start3A_214, %dma_start3A_215] : memref<168x256xf32, #tpu.memory_space<vmem>> -> memref<56x256xf32, #tpu.memory_space<vmem>>
      %dma_start3A_217 = tpu.memref_slice %arg8[%add3A_213] : memref<10752xi32, #tpu.memory_space<vmem>> -> memref<56xi32, #tpu.memory_space<vmem>>
      %dma_start3A_218 = arith.constant 0 : i32
      %dma_start3A_219 = arith.constant 0 : i32
      %dma_start3A_220 = tpu.memref_slice %arg5[%dma_start3A_218, %dma_start3A_219] : memref<100000x256xf32, #tpu.memory_space<hbm>> -> memref<100000x256xf32, #tpu.memory_space<hbm>>
      tpu.enqueue_indirect_dma source(%dma_start3A_220 : memref<100000x256xf32, #tpu.memory_space<hbm>>) target(%dma_start3A_216 : memref<56x256xf32, #tpu.memory_space<vmem>>) offsets(%dma_start3A_217 : memref<56xi32, #tpu.memory_space<vmem>>) semaphore(%arg12 : memref<!tpu.dma_semaphore, #tpu.memory_space<semaphore_mem>>)
      %add3A_221 = arith.constant 1 : i32
      %add3A_222 = arith.addi %mul3A_128, %add3A_221 : i32
      %mul3A_223 = arith.constant 8 : i32
      %mul3A_224 = arith.muli %add3A_222, %mul3A_223 : i32
      %dma_wait3A_225 = tpu.memref_slice %arg7[%mul3A_224] : memref<512xi32, #tpu.memory_space<vmem>> -> memref<8xi32, #tpu.memory_space<vmem>>
      %dma_wait3A_226 = arith.constant 0 : i32
      %dma_wait3A_227 = arith.constant 0 : i32
      %dma_wait3A_228 = tpu.memref_slice %arg4[%dma_wait3A_226, %dma_wait3A_227] : memref<100000x256xf32, #tpu.memory_space<hbm>> -> memref<100000x256xf32, #tpu.memory_space<hbm>>
      tpu.wait_indirect_dma semaphore(%arg16 : memref<!tpu.dma_semaphore, #tpu.memory_space<semaphore_mem>>) src(%dma_wait3A_228 : memref<100000x256xf32, #tpu.memory_space<hbm>>) dst(%arg13 : memref<8x256xf32, #tpu.memory_space<vmem>>)
      %mul3A_229 = arith.constant 168 : i32
      %mul3A_230 = arith.muli %add3A_222, %mul3A_229 : i32
      %add3A_231 = arith.constant 0 : i32
      %add3A_232 = arith.addi %mul3A_230, %add3A_231 : i32
      %dma_wait3A_233 = arith.constant 0 : i32
      %dma_wait3A_234 = arith.constant 0 : i32
      %dma_wait3A_235 = tpu.memref_slice %arg14[%dma_wait3A_233, %dma_wait3A_234] : memref<168x256xf32, #tpu.memory_space<vmem>> -> memref<56x256xf32, #tpu.memory_space<vmem>>
      %dma_wait3A_236 = tpu.memref_slice %arg8[%add3A_232] : memref<10752xi32, #tpu.memory_space<vmem>> -> memref<56xi32, #tpu.memory_space<vmem>>
      %dma_wait3A_237 = arith.constant 0 : i32
      %dma_wait3A_238 = arith.constant 0 : i32
      %dma_wait3A_239 = tpu.memref_slice %arg5[%dma_wait3A_237, %dma_wait3A_238] : memref<100000x256xf32, #tpu.memory_space<hbm>> -> memref<100000x256xf32, #tpu.memory_space<hbm>>
      tpu.wait_indirect_dma semaphore(%arg16 : memref<!tpu.dma_semaphore, #tpu.memory_space<semaphore_mem>>) src(%dma_wait3A_239 : memref<100000x256xf32, #tpu.memory_space<hbm>>) dst(%dma_wait3A_235 : memref<56x256xf32, #tpu.memory_space<vmem>>)
      %mul3A_240 = arith.constant 168 : i32
      %mul3A_241 = arith.muli %add3A_222, %mul3A_240 : i32
      %add3A_242 = arith.constant 56 : i32
      %add3A_243 = arith.addi %mul3A_241, %add3A_242 : i32
      %dma_wait3A_244 = arith.constant 56 : i32
      %dma_wait3A_245 = arith.constant 0 : i32
      %dma_wait3A_246 = tpu.memref_slice %arg14[%dma_wait3A_244, %dma_wait3A_245] : memref<168x256xf32, #tpu.memory_space<vmem>> -> memref<56x256xf32, #tpu.memory_space<vmem>>
      %dma_wait3A_247 = tpu.memref_slice %arg8[%add3A_243] : memref<10752xi32, #tpu.memory_space<vmem>> -> memref<56xi32, #tpu.memory_space<vmem>>
      %dma_wait3A_248 = arith.constant 0 : i32
      %dma_wait3A_249 = arith.constant 0 : i32
      %dma_wait3A_250 = tpu.memref_slice %arg5[%dma_wait3A_248, %dma_wait3A_249] : memref<100000x256xf32, #tpu.memory_space<hbm>> -> memref<100000x256xf32, #tpu.memory_space<hbm>>
      tpu.wait_indirect_dma semaphore(%arg16 : memref<!tpu.dma_semaphore, #tpu.memory_space<semaphore_mem>>) src(%dma_wait3A_250 : memref<100000x256xf32, #tpu.memory_space<hbm>>) dst(%dma_wait3A_246 : memref<56x256xf32, #tpu.memory_space<vmem>>)
      %mul3A_251 = arith.constant 168 : i32
      %mul3A_252 = arith.muli %add3A_222, %mul3A_251 : i32
      %add3A_253 = arith.constant 112 : i32
      %add3A_254 = arith.addi %mul3A_252, %add3A_253 : i32
      %dma_wait3A_255 = arith.constant 112 : i32
      %dma_wait3A_256 = arith.constant 0 : i32
      %dma_wait3A_257 = tpu.memref_slice %arg14[%dma_wait3A_255, %dma_wait3A_256] : memref<168x256xf32, #tpu.memory_space<vmem>> -> memref<56x256xf32, #tpu.memory_space<vmem>>
      %dma_wait3A_258 = tpu.memref_slice %arg8[%add3A_254] : memref<10752xi32, #tpu.memory_space<vmem>> -> memref<56xi32, #tpu.memory_space<vmem>>
      %dma_wait3A_259 = arith.constant 0 : i32
      %dma_wait3A_260 = arith.constant 0 : i32
      %dma_wait3A_261 = tpu.memref_slice %arg5[%dma_wait3A_259, %dma_wait3A_260] : memref<100000x256xf32, #tpu.memory_space<hbm>> -> memref<100000x256xf32, #tpu.memory_space<hbm>>
      tpu.wait_indirect_dma semaphore(%arg16 : memref<!tpu.dma_semaphore, #tpu.memory_space<semaphore_mem>>) src(%dma_wait3A_261 : memref<100000x256xf32, #tpu.memory_space<hbm>>) dst(%dma_wait3A_257 : memref<56x256xf32, #tpu.memory_space<vmem>>)
      %add3A_262 = arith.constant 1 : i32
      %add3A_263 = arith.addi %mul3A_128, %add3A_262 : i32
      %scan3A_264 = arith.constant 0 : i32
      %scan3A_265 = arith.constant 0 : i32
      %scan3A_266 = arith.constant 8 : i32
      %scan3A_267 = arith.addi %scan3A_265, %scan3A_266 : i32
      %scan3A_268 = arith.constant 1 : i32
      scf.for %scan3A_318 = %scan3A_265 to %scan3A_267 step %scan3A_268  : i32 {
        %get3A = arith.index_cast %scan3A_318 : i32 to index
        %get3A_319 = arith.constant 0 : index
        %get3A_320 = tpu.vector_load %arg13[%get3A, %get3A_319] {strides = array<i32>} : memref<8x256xf32, #tpu.memory_space<vmem>>, vector<16xf32>,
        %get3A_321 = arith.index_cast %scan3A_318 : i32 to index
        %get3A_322 = arith.constant 16 : index
        %get3A_323 = tpu.vector_load %arg13[%get3A_321, %get3A_322] {strides = array<i32>} : memref<8x256xf32, #tpu.memory_space<vmem>>, vector<16xf32>,
        %get3A_324 = arith.index_cast %scan3A_318 : i32 to index
        %get3A_325 = arith.constant 32 : index
        %get3A_326 = tpu.vector_load %arg13[%get3A_324, %get3A_325] {strides = array<i32>} : memref<8x256xf32, #tpu.memory_space<vmem>>, vector<16xf32>,
        %get3A_327 = arith.index_cast %scan3A_318 : i32 to index
        %get3A_328 = arith.constant 48 : index
        %get3A_329 = tpu.vector_load %arg13[%get3A_327, %get3A_328] {strides = array<i32>} : memref<8x256xf32, #tpu.memory_space<vmem>>, vector<16xf32>,
        %get3A_330 = arith.index_cast %scan3A_318 : i32 to index
        %get3A_331 = arith.constant 64 : index
        %get3A_332 = tpu.vector_load %arg13[%get3A_330, %get3A_331] {strides = array<i32>} : memref<8x256xf32, #tpu.memory_space<vmem>>, vector<16xf32>,
        %get3A_333 = arith.index_cast %scan3A_318 : i32 to index
        %get3A_334 = arith.constant 80 : index
        %get3A_335 = tpu.vector_load %arg13[%get3A_333, %get3A_334] {strides = array<i32>} : memref<8x256xf32, #tpu.memory_space<vmem>>, vector<16xf32>,
        %get3A_336 = arith.index_cast %scan3A_318 : i32 to index
        %get3A_337 = arith.constant 96 : index
        %get3A_338 = tpu.vector_load %arg13[%get3A_336, %get3A_337] {strides = array<i32>} : memref<8x256xf32, #tpu.memory_space<vmem>>, vector<16xf32>,
        %get3A_339 = arith.index_cast %scan3A_318 : i32 to index
        %get3A_340 = arith.constant 112 : index
        %get3A_341 = tpu.vector_load %arg13[%get3A_339, %get3A_340] {strides = array<i32>} : memref<8x256xf32, #tpu.memory_space<vmem>>, vector<16xf32>,
        %get3A_342 = arith.index_cast %scan3A_318 : i32 to index
        %get3A_343 = arith.constant 128 : index
        %get3A_344 = tpu.vector_load %arg13[%get3A_342, %get3A_343] {strides = array<i32>} : memref<8x256xf32, #tpu.memory_space<vmem>>, vector<16xf32>,
        %get3A_345 = arith.index_cast %scan3A_318 : i32 to index
        %get3A_346 = arith.constant 144 : index
        %get3A_347 = tpu.vector_load %arg13[%get3A_345, %get3A_346] {strides = array<i32>} : memref<8x256xf32, #tpu.memory_space<vmem>>, vector<16xf32>,
        %get3A_348 = arith.index_cast %scan3A_318 : i32 to index
        %get3A_349 = arith.constant 160 : index
        %get3A_350 = tpu.vector_load %arg13[%get3A_348, %get3A_349] {strides = array<i32>} : memref<8x256xf32, #tpu.memory_space<vmem>>, vector<16xf32>,
        %get3A_351 = arith.index_cast %scan3A_318 : i32 to index
        %get3A_352 = arith.constant 176 : index
        %get3A_353 = tpu.vector_load %arg13[%get3A_351, %get3A_352] {strides = array<i32>} : memref<8x256xf32, #tpu.memory_space<vmem>>, vector<16xf32>,
        %get3A_354 = arith.index_cast %scan3A_318 : i32 to index
        %get3A_355 = arith.constant 192 : index
        %get3A_356 = tpu.vector_load %arg13[%get3A_354, %get3A_355] {strides = array<i32>} : memref<8x256xf32, #tpu.memory_space<vmem>>, vector<16xf32>,
        %get3A_357 = arith.index_cast %scan3A_318 : i32 to index
        %get3A_358 = arith.constant 208 : index
        %get3A_359 = tpu.vector_load %arg13[%get3A_357, %get3A_358] {strides = array<i32>} : memref<8x256xf32, #tpu.memory_space<vmem>>, vector<16xf32>,
        %get3A_360 = arith.index_cast %scan3A_318 : i32 to index
        %get3A_361 = arith.constant 224 : index
        %get3A_362 = tpu.vector_load %arg13[%get3A_360, %get3A_361] {strides = array<i32>} : memref<8x256xf32, #tpu.memory_space<vmem>>, vector<16xf32>,
        %get3A_363 = arith.index_cast %scan3A_318 : i32 to index
        %get3A_364 = arith.constant 240 : index
        %get3A_365 = tpu.vector_load %arg13[%get3A_363, %get3A_364] {strides = array<i32>} : memref<8x256xf32, #tpu.memory_space<vmem>>, vector<16xf32>,
        %scan3A_366 = arith.constant 0 : i32
        %scan3A_367 = arith.constant 0 : i32
        %scan3A_368 = arith.constant 21 : i32
        %scan3A_369 = arith.addi %scan3A_367, %scan3A_368 : i32
        %scan3A_370 = arith.constant 1 : i32
        scf.for %scan3A_372 = %scan3A_367 to %scan3A_369 step %scan3A_370  : i32 {
          %mul3A_373 = arith.constant 21 : i32
          %mul3A_374 = arith.muli %scan3A_318, %mul3A_373 : i32
          %add3A_375 = arith.addi %mul3A_374, %scan3A_372 : i32
          %get3A_376 = arith.index_cast %add3A_375 : i32 to index
          %get3A_377 = arith.constant 0 : index
          %get3A_378 = tpu.vector_load %arg14[%get3A_376, %get3A_377] {strides = array<i32>} : memref<168x256xf32, #tpu.memory_space<vmem>>, vector<16xf32>,
          %mul3A_379 = arith.mulf %get3A_378, %get3A_320 : vector<16xf32>
          %get3A_380 = arith.index_cast %add3A_375 : i32 to index
          %get3A_381 = arith.constant 16 : index
          %get3A_382 = tpu.vector_load %arg14[%get3A_380, %get3A_381] {strides = array<i32>} : memref<168x256xf32, #tpu.memory_space<vmem>>, vector<16xf32>,
          %mul3A_383 = arith.mulf %get3A_382, %get3A_323 : vector<16xf32>
          %get3A_384 = arith.index_cast %add3A_375 : i32 to index
          %get3A_385 = arith.constant 32 : index
          %get3A_386 = tpu.vector_load %arg14[%get3A_384, %get3A_385] {strides = array<i32>} : memref<168x256xf32, #tpu.memory_space<vmem>>, vector<16xf32>,
          %mul3A_387 = arith.mulf %get3A_386, %get3A_326 : vector<16xf32>
          %get3A_388 = arith.index_cast %add3A_375 : i32 to index
          %get3A_389 = arith.constant 48 : index
          %get3A_390 = tpu.vector_load %arg14[%get3A_388, %get3A_389] {strides = array<i32>} : memref<168x256xf32, #tpu.memory_space<vmem>>, vector<16xf32>,
          %mul3A_391 = arith.mulf %get3A_390, %get3A_329 : vector<16xf32>
          %get3A_392 = arith.index_cast %add3A_375 : i32 to index
          %get3A_393 = arith.constant 64 : index
          %get3A_394 = tpu.vector_load %arg14[%get3A_392, %get3A_393] {strides = array<i32>} : memref<168x256xf32, #tpu.memory_space<vmem>>, vector<16xf32>,
          %mul3A_395 = arith.mulf %get3A_394, %get3A_332 : vector<16xf32>
          %add3A_396 = arith.addf %mul3A_379, %mul3A_395 : vector<16xf32>
          %get3A_397 = arith.index_cast %add3A_375 : i32 to index
          %get3A_398 = arith.constant 80 : index
          %get3A_399 = tpu.vector_load %arg14[%get3A_397, %get3A_398] {strides = array<i32>} : memref<168x256xf32, #tpu.memory_space<vmem>>, vector<16xf32>,
          %mul3A_400 = arith.mulf %get3A_399, %get3A_335 : vector<16xf32>
          %add3A_401 = arith.addf %mul3A_383, %mul3A_400 : vector<16xf32>
          %get3A_402 = arith.index_cast %add3A_375 : i32 to index
          %get3A_403 = arith.constant 96 : index
          %get3A_404 = tpu.vector_load %arg14[%get3A_402, %get3A_403] {strides = array<i32>} : memref<168x256xf32, #tpu.memory_space<vmem>>, vector<16xf32>,
          %mul3A_405 = arith.mulf %get3A_404, %get3A_338 : vector<16xf32>
          %add3A_406 = arith.addf %mul3A_387, %mul3A_405 : vector<16xf32>
          %get3A_407 = arith.index_cast %add3A_375 : i32 to index
          %get3A_408 = arith.constant 112 : index
          %get3A_409 = tpu.vector_load %arg14[%get3A_407, %get3A_408] {strides = array<i32>} : memref<168x256xf32, #tpu.memory_space<vmem>>, vector<16xf32>,
          %mul3A_410 = arith.mulf %get3A_409, %get3A_341 : vector<16xf32>
          %add3A_411 = arith.addf %mul3A_391, %mul3A_410 : vector<16xf32>
          %get3A_412 = arith.index_cast %add3A_375 : i32 to index
          %get3A_413 = arith.constant 128 : index
          %get3A_414 = tpu.vector_load %arg14[%get3A_412, %get3A_413] {strides = array<i32>} : memref<168x256xf32, #tpu.memory_space<vmem>>, vector<16xf32>,
          %mul3A_415 = arith.mulf %get3A_414, %get3A_344 : vector<16xf32>
          %add3A_416 = arith.addf %add3A_396, %mul3A_415 : vector<16xf32>
          %get3A_417 = arith.index_cast %add3A_375 : i32 to index
          %get3A_418 = arith.constant 144 : index
          %get3A_419 = tpu.vector_load %arg14[%get3A_417, %get3A_418] {strides = array<i32>} : memref<168x256xf32, #tpu.memory_space<vmem>>, vector<16xf32>,
          %mul3A_420 = arith.mulf %get3A_419, %get3A_347 : vector<16xf32>
          %add3A_421 = arith.addf %add3A_401, %mul3A_420 : vector<16xf32>
          %get3A_422 = arith.index_cast %add3A_375 : i32 to index
          %get3A_423 = arith.constant 160 : index
          %get3A_424 = tpu.vector_load %arg14[%get3A_422, %get3A_423] {strides = array<i32>} : memref<168x256xf32, #tpu.memory_space<vmem>>, vector<16xf32>,
          %mul3A_425 = arith.mulf %get3A_424, %get3A_350 : vector<16xf32>
          %add3A_426 = arith.addf %add3A_406, %mul3A_425 : vector<16xf32>
          %get3A_427 = arith.index_cast %add3A_375 : i32 to index
          %get3A_428 = arith.constant 176 : index
          %get3A_429 = tpu.vector_load %arg14[%get3A_427, %get3A_428] {strides = array<i32>} : memref<168x256xf32, #tpu.memory_space<vmem>>, vector<16xf32>,
          %mul3A_430 = arith.mulf %get3A_429, %get3A_353 : vector<16xf32>
          %add3A_431 = arith.addf %add3A_411, %mul3A_430 : vector<16xf32>
          %get3A_432 = arith.index_cast %add3A_375 : i32 to index
          %get3A_433 = arith.constant 192 : index
          %get3A_434 = tpu.vector_load %arg14[%get3A_432, %get3A_433] {strides = array<i32>} : memref<168x256xf32, #tpu.memory_space<vmem>>, vector<16xf32>,
          %mul3A_435 = arith.mulf %get3A_434, %get3A_356 : vector<16xf32>
          %add3A_436 = arith.addf %add3A_416, %mul3A_435 : vector<16xf32>
          %get3A_437 = arith.index_cast %add3A_375 : i32 to index
          %get3A_438 = arith.constant 208 : index
          %get3A_439 = tpu.vector_load %arg14[%get3A_437, %get3A_438] {strides = array<i32>} : memref<168x256xf32, #tpu.memory_space<vmem>>, vector<16xf32>,
          %mul3A_440 = arith.mulf %get3A_439, %get3A_359 : vector<16xf32>
          %add3A_441 = arith.addf %add3A_421, %mul3A_440 : vector<16xf32>
          %get3A_442 = arith.index_cast %add3A_375 : i32 to index
          %get3A_443 = arith.constant 224 : index
          %get3A_444 = tpu.vector_load %arg14[%get3A_442, %get3A_443] {strides = array<i32>} : memref<168x256xf32, #tpu.memory_space<vmem>>, vector<16xf32>,
          %mul3A_445 = arith.mulf %get3A_444, %get3A_362 : vector<16xf32>
          %add3A_446 = arith.addf %add3A_426, %mul3A_445 : vector<16xf32>
          %get3A_447 = arith.index_cast %add3A_375 : i32 to index
          %get3A_448 = arith.constant 240 : index
          %get3A_449 = tpu.vector_load %arg14[%get3A_447, %get3A_448] {strides = array<i32>} : memref<168x256xf32, #tpu.memory_space<vmem>>, vector<16xf32>,
          %mul3A_450 = arith.mulf %get3A_449, %get3A_365 : vector<16xf32>
          %add3A_451 = arith.addf %add3A_431, %mul3A_450 : vector<16xf32>
          %add3A_452 = arith.addf %add3A_436, %add3A_441 : vector<16xf32>
          %add3A_453 = arith.addf %add3A_446, %add3A_451 : vector<16xf32>
          %add3A_454 = arith.addf %add3A_452, %add3A_453 : vector<16xf32>
          %broadcast_in_dim3A = arith.constant true
          %broadcast_in_dim3A_455 = vector.broadcast %broadcast_in_dim3A : i1 to vector<16xi1>
          %masked_cumsum3A = tpu.scan <sum>, %add3A_454 masked %broadcast_in_dim3A_455 : vector<16xf32>, vector<16xi1> -> vector<16xf32>
          %broadcast_in_dim3A_456 = vector.broadcast %add3A_375 : i32 to vector<16xi32>
          tpu.vector_store_idx %arg15[%broadcast_in_dim3A_456], %masked_cumsum3A masked %eq3A_4 : memref<168xf32, #tpu.memory_space<vmem>>[vector<16xi32>], vector<16xf32>, vector<16xi1>
        }
        %scan3A_371 = arith.constant 21 : i32
      }
      %scan3A_269 = arith.constant 8 : i32
      %mul3A_270 = arith.constant 8 : i32
      %mul3A_271 = arith.muli %add3A_263, %mul3A_270 : i32
      %add3A_272 = arith.addi %mul3A_2, %mul3A_271 : i32
      %mul3A_273 = arith.constant 21 : i32
      %mul3A_274 = arith.muli %add3A_272, %mul3A_273 : i32
      "tpu.region"() ({
        %run_scoped3A = tpu.sem_alloc : memref<!tpu.dma_semaphore, #tpu.memory_space<semaphore_mem>>
        %dma_start3A_318 = tpu.memref_slice %arg6[%mul3A_274] : memref<344064xf32, #tpu.memory_space<hbm>> -> memref<168xf32, #tpu.memory_space<hbm>>
        %dma_start3A_319 = tpu.memref_slice %arg6[%mul3A_274] : memref<344064xf32, #tpu.memory_space<hbm>> -> memref<168xf32, #tpu.memory_space<hbm>>
        tpu.enqueue_dma source(%arg15 : memref<168xf32, #tpu.memory_space<vmem>>) target(%dma_start3A_319 : memref<168xf32, #tpu.memory_space<hbm>>) target_semaphore(%run_scoped3A : memref<!tpu.dma_semaphore, #tpu.memory_space<semaphore_mem>>)
        %dma_wait3A_320 = tpu.memref_slice %arg6[%mul3A_274] : memref<344064xf32, #tpu.memory_space<hbm>> -> memref<168xf32, #tpu.memory_space<hbm>>
        %dma_wait3A_321 = tpu.memref_slice %arg6[%mul3A_274] : memref<344064xf32, #tpu.memory_space<hbm>> -> memref<168xf32, #tpu.memory_space<hbm>>
        tpu.wait_dma2 semaphore(%run_scoped3A : memref<!tpu.dma_semaphore, #tpu.memory_space<semaphore_mem>>) src(%arg15 : memref<168xf32, #tpu.memory_space<vmem>>) dst(%dma_wait3A_321 : memref<168xf32, #tpu.memory_space<hbm>>)
        tpu.yield
      }) : () -> ()
      %add3A_275 = arith.constant 3 : i32
      %add3A_276 = arith.addi %mul3A_128, %add3A_275 : i32
      %min3A_277 = arith.constant 63 : i32
      %min3A_278 = arith.minsi %add3A_276, %min3A_277 : i32
      %mul3A_279 = arith.constant 8 : i32
      %mul3A_280 = arith.muli %min3A_278, %mul3A_279 : i32
      %dma_start3A_281 = tpu.memref_slice %arg7[%mul3A_280] : memref<512xi32, #tpu.memory_space<vmem>> -> memref<8xi32, #tpu.memory_space<vmem>>
      %dma_start3A_282 = arith.constant 0 : i32
      %dma_start3A_283 = arith.constant 0 : i32
      %dma_start3A_284 = tpu.memref_slice %arg4[%dma_start3A_282, %dma_start3A_283] : memref<100000x256xf32, #tpu.memory_space<hbm>> -> memref<100000x256xf32, #tpu.memory_space<hbm>>
      tpu.enqueue_indirect_dma source(%dma_start3A_284 : memref<100000x256xf32, #tpu.memory_space<hbm>>) target(%arg13 : memref<8x256xf32, #tpu.memory_space<vmem>>) offsets(%dma_start3A_281 : memref<8xi32, #tpu.memory_space<vmem>>) semaphore(%arg16 : memref<!tpu.dma_semaphore, #tpu.memory_space<semaphore_mem>>)
      %mul3A_285 = arith.constant 168 : i32
      %mul3A_286 = arith.muli %min3A_278, %mul3A_285 : i32
      %add3A_287 = arith.constant 0 : i32
      %add3A_288 = arith.addi %mul3A_286, %add3A_287 : i32
      %dma_start3A_289 = arith.constant 0 : i32
      %dma_start3A_290 = arith.constant 0 : i32
      %dma_start3A_291 = tpu.memref_slice %arg14[%dma_start3A_289, %dma_start3A_290] : memref<168x256xf32, #tpu.memory_space<vmem>> -> memref<56x256xf32, #tpu.memory_space<vmem>>
      %dma_start3A_292 = tpu.memref_slice %arg8[%add3A_288] : memref<10752xi32, #tpu.memory_space<vmem>> -> memref<56xi32, #tpu.memory_space<vmem>>
      %dma_start3A_293 = arith.constant 0 : i32
      %dma_start3A_294 = arith.constant 0 : i32
      %dma_start3A_295 = tpu.memref_slice %arg5[%dma_start3A_293, %dma_start3A_294] : memref<100000x256xf32, #tpu.memory_space<hbm>> -> memref<100000x256xf32, #tpu.memory_space<hbm>>
      tpu.enqueue_indirect_dma source(%dma_start3A_295 : memref<100000x256xf32, #tpu.memory_space<hbm>>) target(%dma_start3A_291 : memref<56x256xf32, #tpu.memory_space<vmem>>) offsets(%dma_start3A_292 : memref<56xi32, #tpu.memory_space<vmem>>) semaphore(%arg16 : memref<!tpu.dma_semaphore, #tpu.memory_space<semaphore_mem>>)
      %mul3A_296 = arith.constant 168 : i32
      %mul3A_297 = arith.muli %min3A_278, %mul3A_296 : i32
      %add3A_298 = arith.constant 56 : i32
      %add3A_299 = arith.addi %mul3A_297, %add3A_298 : i32
      %dma_start3A_300 = arith.constant 56 : i32
      %dma_start3A_301 = arith.constant 0 : i32
      %dma_start3A_302 = tpu.memref_slice %arg14[%dma_start3A_300, %dma_start3A_301] : memref<168x256xf32, #tpu.memory_space<vmem>> -> memref<56x256xf32, #tpu.memory_space<vmem>>
      %dma_start3A_303 = tpu.memref_slice %arg8[%add3A_299] : memref<10752xi32, #tpu.memory_space<vmem>> -> memref<56xi32, #tpu.memory_space<vmem>>
      %dma_start3A_304 = arith.constant 0 : i32
      %dma_start3A_305 = arith.constant 0 : i32
      %dma_start3A_306 = tpu.memref_slice %arg5[%dma_start3A_304, %dma_start3A_305] : memref<100000x256xf32, #tpu.memory_space<hbm>> -> memref<100000x256xf32, #tpu.memory_space<hbm>>
      tpu.enqueue_indirect_dma source(%dma_start3A_306 : memref<100000x256xf32, #tpu.memory_space<hbm>>) target(%dma_start3A_302 : memref<56x256xf32, #tpu.memory_space<vmem>>) offsets(%dma_start3A_303 : memref<56xi32, #tpu.memory_space<vmem>>) semaphore(%arg16 : memref<!tpu.dma_semaphore, #tpu.memory_space<semaphore_mem>>)
      %mul3A_307 = arith.constant 168 : i32
      %mul3A_308 = arith.muli %min3A_278, %mul3A_307 : i32
      %add3A_309 = arith.constant 112 : i32
      %add3A_310 = arith.addi %mul3A_308, %add3A_309 : i32
      %dma_start3A_311 = arith.constant 112 : i32
      %dma_start3A_312 = arith.constant 0 : i32
      %dma_start3A_313 = tpu.memref_slice %arg14[%dma_start3A_311, %dma_start3A_312] : memref<168x256xf32, #tpu.memory_space<vmem>> -> memref<56x256xf32, #tpu.memory_space<vmem>>
      %dma_start3A_314 = tpu.memref_slice %arg8[%add3A_310] : memref<10752xi32, #tpu.memory_space<vmem>> -> memref<56xi32, #tpu.memory_space<vmem>>
      %dma_start3A_315 = arith.constant 0 : i32
      %dma_start3A_316 = arith.constant 0 : i32
      %dma_start3A_317 = tpu.memref_slice %arg5[%dma_start3A_315, %dma_start3A_316] : memref<100000x256xf32, #tpu.memory_space<hbm>> -> memref<100000x256xf32, #tpu.memory_space<hbm>>
      tpu.enqueue_indirect_dma source(%dma_start3A_317 : memref<100000x256xf32, #tpu.memory_space<hbm>>) target(%dma_start3A_313 : memref<56x256xf32, #tpu.memory_space<vmem>>) offsets(%dma_start3A_314 : memref<56xi32, #tpu.memory_space<vmem>>) semaphore(%arg16 : memref<!tpu.dma_semaphore, #tpu.memory_space<semaphore_mem>>)
    }
    %scan3A_68 = arith.constant 32 : i32
    %dma_wait3A = arith.constant 504 : i32
    %dma_wait3A_69 = tpu.memref_slice %arg7[%dma_wait3A] : memref<512xi32, #tpu.memory_space<vmem>> -> memref<8xi32, #tpu.memory_space<vmem>>
    %dma_wait3A_70 = arith.constant 0 : i32
    %dma_wait3A_71 = arith.constant 0 : i32
    %dma_wait3A_72 = tpu.memref_slice %arg4[%dma_wait3A_70, %dma_wait3A_71] : memref<100000x256xf32, #tpu.memory_space<hbm>> -> memref<100000x256xf32, #tpu.memory_space<hbm>>
    tpu.wait_indirect_dma semaphore(%arg12 : memref<!tpu.dma_semaphore, #tpu.memory_space<semaphore_mem>>) src(%dma_wait3A_72 : memref<100000x256xf32, #tpu.memory_space<hbm>>) dst(%arg9 : memref<8x256xf32, #tpu.memory_space<vmem>>)
    %dma_wait3A_73 = arith.constant 0 : i32
    %dma_wait3A_74 = arith.constant 0 : i32
    %dma_wait3A_75 = tpu.memref_slice %arg10[%dma_wait3A_73, %dma_wait3A_74] : memref<168x256xf32, #tpu.memory_space<vmem>> -> memref<56x256xf32, #tpu.memory_space<vmem>>
    %dma_wait3A_76 = arith.constant 10584 : i32
    %dma_wait3A_77 = tpu.memref_slice %arg8[%dma_wait3A_76] : memref<10752xi32, #tpu.memory_space<vmem>> -> memref<56xi32, #tpu.memory_space<vmem>>
    %dma_wait3A_78 = arith.constant 0 : i32
    %dma_wait3A_79 = arith.constant 0 : i32
    %dma_wait3A_80 = tpu.memref_slice %arg5[%dma_wait3A_78, %dma_wait3A_79] : memref<100000x256xf32, #tpu.memory_space<hbm>> -> memref<100000x256xf32, #tpu.memory_space<hbm>>
    tpu.wait_indirect_dma semaphore(%arg12 : memref<!tpu.dma_semaphore, #tpu.memory_space<semaphore_mem>>) src(%dma_wait3A_80 : memref<100000x256xf32, #tpu.memory_space<hbm>>) dst(%dma_wait3A_75 : memref<56x256xf32, #tpu.memory_space<vmem>>)
    %dma_wait3A_81 = arith.constant 56 : i32
    %dma_wait3A_82 = arith.constant 0 : i32
    %dma_wait3A_83 = tpu.memref_slice %arg10[%dma_wait3A_81, %dma_wait3A_82] : memref<168x256xf32, #tpu.memory_space<vmem>> -> memref<56x256xf32, #tpu.memory_space<vmem>>
    %dma_wait3A_84 = arith.constant 10640 : i32
    %dma_wait3A_85 = tpu.memref_slice %arg8[%dma_wait3A_84] : memref<10752xi32, #tpu.memory_space<vmem>> -> memref<56xi32, #tpu.memory_space<vmem>>
    %dma_wait3A_86 = arith.constant 0 : i32
    %dma_wait3A_87 = arith.constant 0 : i32
    %dma_wait3A_88 = tpu.memref_slice %arg5[%dma_wait3A_86, %dma_wait3A_87] : memref<100000x256xf32, #tpu.memory_space<hbm>> -> memref<100000x256xf32, #tpu.memory_space<hbm>>
    tpu.wait_indirect_dma semaphore(%arg12 : memref<!tpu.dma_semaphore, #tpu.memory_space<semaphore_mem>>) src(%dma_wait3A_88 : memref<100000x256xf32, #tpu.memory_space<hbm>>) dst(%dma_wait3A_83 : memref<56x256xf32, #tpu.memory_space<vmem>>)
    %dma_wait3A_89 = arith.constant 112 : i32
    %dma_wait3A_90 = arith.constant 0 : i32
    %dma_wait3A_91 = tpu.memref_slice %arg10[%dma_wait3A_89, %dma_wait3A_90] : memref<168x256xf32, #tpu.memory_space<vmem>> -> memref<56x256xf32, #tpu.memory_space<vmem>>
    %dma_wait3A_92 = arith.constant 10696 : i32
    %dma_wait3A_93 = tpu.memref_slice %arg8[%dma_wait3A_92] : memref<10752xi32, #tpu.memory_space<vmem>> -> memref<56xi32, #tpu.memory_space<vmem>>
    %dma_wait3A_94 = arith.constant 0 : i32
    %dma_wait3A_95 = arith.constant 0 : i32
    %dma_wait3A_96 = tpu.memref_slice %arg5[%dma_wait3A_94, %dma_wait3A_95] : memref<100000x256xf32, #tpu.memory_space<hbm>> -> memref<100000x256xf32, #tpu.memory_space<hbm>>
    tpu.wait_indirect_dma semaphore(%arg12 : memref<!tpu.dma_semaphore, #tpu.memory_space<semaphore_mem>>) src(%dma_wait3A_96 : memref<100000x256xf32, #tpu.memory_space<hbm>>) dst(%dma_wait3A_91 : memref<56x256xf32, #tpu.memory_space<vmem>>)
    %dma_wait3A_97 = arith.constant 504 : i32
    %dma_wait3A_98 = tpu.memref_slice %arg7[%dma_wait3A_97] : memref<512xi32, #tpu.memory_space<vmem>> -> memref<8xi32, #tpu.memory_space<vmem>>
    %dma_wait3A_99 = arith.constant 0 : i32
    %dma_wait3A_100 = arith.constant 0 : i32
    %dma_wait3A_101 = tpu.memref_slice %arg4[%dma_wait3A_99, %dma_wait3A_100] : memref<100000x256xf32, #tpu.memory_space<hbm>> -> memref<100000x256xf32, #tpu.memory_space<hbm>>
    tpu.wait_indirect_dma semaphore(%arg16 : memref<!tpu.dma_semaphore, #tpu.memory_space<semaphore_mem>>) src(%dma_wait3A_101 : memref<100000x256xf32, #tpu.memory_space<hbm>>) dst(%arg13 : memref<8x256xf32, #tpu.memory_space<vmem>>)
    %dma_wait3A_102 = arith.constant 0 : i32
    %dma_wait3A_103 = arith.constant 0 : i32
    %dma_wait3A_104 = tpu.memref_slice %arg14[%dma_wait3A_102, %dma_wait3A_103] : memref<168x256xf32, #tpu.memory_space<vmem>> -> memref<56x256xf32, #tpu.memory_space<vmem>>
    %dma_wait3A_105 = arith.constant 10584 : i32
    %dma_wait3A_106 = tpu.memref_slice %arg8[%dma_wait3A_105] : memref<10752xi32, #tpu.memory_space<vmem>> -> memref<56xi32, #tpu.memory_space<vmem>>
    %dma_wait3A_107 = arith.constant 0 : i32
    %dma_wait3A_108 = arith.constant 0 : i32
    %dma_wait3A_109 = tpu.memref_slice %arg5[%dma_wait3A_107, %dma_wait3A_108] : memref<100000x256xf32, #tpu.memory_space<hbm>> -> memref<100000x256xf32, #tpu.memory_space<hbm>>
    tpu.wait_indirect_dma semaphore(%arg16 : memref<!tpu.dma_semaphore, #tpu.memory_space<semaphore_mem>>) src(%dma_wait3A_109 : memref<100000x256xf32, #tpu.memory_space<hbm>>) dst(%dma_wait3A_104 : memref<56x256xf32, #tpu.memory_space<vmem>>)
    %dma_wait3A_110 = arith.constant 56 : i32
    %dma_wait3A_111 = arith.constant 0 : i32
    %dma_wait3A_112 = tpu.memref_slice %arg14[%dma_wait3A_110, %dma_wait3A_111] : memref<168x256xf32, #tpu.memory_space<vmem>> -> memref<56x256xf32, #tpu.memory_space<vmem>>
    %dma_wait3A_113 = arith.constant 10640 : i32
    %dma_wait3A_114 = tpu.memref_slice %arg8[%dma_wait3A_113] : memref<10752xi32, #tpu.memory_space<vmem>> -> memref<56xi32, #tpu.memory_space<vmem>>
    %dma_wait3A_115 = arith.constant 0 : i32
    %dma_wait3A_116 = arith.constant 0 : i32
    %dma_wait3A_117 = tpu.memref_slice %arg5[%dma_wait3A_115, %dma_wait3A_116] : memref<100000x256xf32, #tpu.memory_space<hbm>> -> memref<100000x256xf32, #tpu.memory_space<hbm>>
    tpu.wait_indirect_dma semaphore(%arg16 : memref<!tpu.dma_semaphore, #tpu.memory_space<semaphore_mem>>) src(%dma_wait3A_117 : memref<100000x256xf32, #tpu.memory_space<hbm>>) dst(%dma_wait3A_112 : memref<56x256xf32, #tpu.memory_space<vmem>>)
    %dma_wait3A_118 = arith.constant 112 : i32
    %dma_wait3A_119 = arith.constant 0 : i32
    %dma_wait3A_120 = tpu.memref_slice %arg14[%dma_wait3A_118, %dma_wait3A_119] : memref<168x256xf32, #tpu.memory_space<vmem>> -> memref<56x256xf32, #tpu.memory_space<vmem>>
    %dma_wait3A_121 = arith.constant 10696 : i32
    %dma_wait3A_122 = tpu.memref_slice %arg8[%dma_wait3A_121] : memref<10752xi32, #tpu.memory_space<vmem>> -> memref<56xi32, #tpu.memory_space<vmem>>
    %dma_wait3A_123 = arith.constant 0 : i32
    %dma_wait3A_124 = arith.constant 0 : i32
    %dma_wait3A_125 = tpu.memref_slice %arg5[%dma_wait3A_123, %dma_wait3A_124] : memref<100000x256xf32, #tpu.memory_space<hbm>> -> memref<100000x256xf32, #tpu.memory_space<hbm>>
    tpu.wait_indirect_dma semaphore(%arg16 : memref<!tpu.dma_semaphore, #tpu.memory_space<semaphore_mem>>) src(%dma_wait3A_125 : memref<100000x256xf32, #tpu.memory_space<hbm>>) dst(%dma_wait3A_120 : memref<56x256xf32, #tpu.memory_space<vmem>>)
    return
  }
}

</mosaic_0001>

<sc_bundles>
// kernel: kernel.3.cloned.1.call-start
scs
__scs_entry_jumppad:
0x0: {  	(pc) =	sbr.rel $0x88, $3  }
0x1: {  	(tag) =	ssettag $0x0;
	lr =	simm.s32 $0x1  }
0x2: {  	[smem:$0x3F9D] =	sst lr;
	_ =	strace $0xD0000000  }
0x3: {  	_ = 	snop  }
0x4: {  	_ = 	snop  }
0x5: {  	_ = 	snop  }
0x6: {  	_ = 	snop  }
0x7: {  	_ = 	snop  }
__scs_overlays_trampoline_lowered:
0x8: {  	[smem:$0x3FAC] =	sst s0  }
0x9: {  	[smem:$0x3FAD] =	sst s1  }
0xa: {  	[smem:$0x3FAE] =	sst s2  }
0xb: {  	[smem:$0x3FAF] =	sst s3  }
0xc: {  	[smem:$0x3FB0] =	sst s4  }
0xd: {  	[smem:$0x3FB1] =	sst s5  }
0xe: {  	[smem:$0x3FB2] =	sst s6  }
0xf: {  	[smem:$0x3FB3] =	sst s7  }
0x10: {  	[smem:$0x3FB4] =	sst s8  }
0x11: {  	[smem:$0x3FB5] =	sst s9;
	s0 =	simm.s32 @!p0 $0x0  }
0x12: {  	s1 =	sld [smem:$0x3F9B];
	s0 =	simm.s32 @p0 $0x1  }
0x13: {  	[smem:$0x3FB6] =	sst s0;
	s0 =	simm.s32 @!p1 $0x0  }
0x14: {  	s2 =	sld [smem:$0x3F9A];
	s0 =	simm.s32 @p1 $0x1  }
0x15: {  	[smem:$0x3FB7] =	sst s0;
	s0 =	simm.s32 @!p2 $0x0  }
0x16: {  	s3 =	sld [smem:$0x3FDB];
	s0 =	simm.s32 @p2 $0x1  }
0x17: {  	s4 =	simm.s32 $0x1BF5;
	[smem:$0x3FB9] =	sst s0  }
0x18: {  	s0 =	sld [smem:$0x3F9C];
	_ =	swait.ge [sflag:s4], $0x0  }
0x19: {  	s7 =	sld [smem:$0x3F9D]  }
0x1a: {  	s8 =	sadd.s32 $0xFFFFE003, lr  }
0x1b: {  	s9 =	sadd.s32 $0xFFFFFEF7, lr;
	s5 =	simm.s32 $0xFFFFFFFF;
	p2 =	slt.u32 s8, $0xFFFFF086  }
0x1c: {  	p1 =	slt.u32 s9, $0xF7A;
	s5 =	simm.s32 @!p2 $0x0  }
0x1d: {  	s5 =	simm.s32 @p1 $0x1;
	p0 =	seq.s32 s7, s2  }
0x1e: {  	s7 =	smul.u32 @!p0 $0xF7A, s2;
	p2 =	seq.s32 @!p0 s5, $0x0  }
0x1f: {  	s9 =	smul.u32 $0xF7A, s1;
	s8 =	simm.s32 @!p0 $0x1BF5;
	p2 =	por !p2, p0  }
0x20: {  	[sflag:s8] =	ssyncset.s32 @!p0 $0xFFFFF086;
	s6 =	sadd.s32 @!p0 s3, s7;
	s7 =	simm.s32 @!p0 $0x108  }
0x21: {  	s3 =	sadd.s32 s3, s9;
	s6 =	sadd.s32 @!p0 $0x88, s6;
	s7 =	simm.s32 @p2 $0x1082  }
0x22: {  	[simem:s7], [sflag:s8] =	dma.local @!p0 [hbm:s6], $0xF7A  }
0x23: {  	s9 =	sor.u32 $0xD0000000, s2;
	s6 =	simm.s32 $0x108;
	_ =	swait.ge @!p0 [sflag:s8], $0x0  }
0x24: {  	s3 =	sadd.s32 $0x88, s3;
	s6 =	simm.s32 @!p1 $0x1082;
	[sflag:s4] =	ssyncset.s32 $0xFFFFF086  }
0x25: {  	[simem:s6], [sflag:s4] =	dma.local [hbm:s3], $0xF7A  }
0x26: {  	[smem:$0x3F9D] =	sst s1;
	(tag) =	ssettag s2;
	_ =	strace s9  }
0x27: {  	s1 =	sld [smem:$0x3FAD]  }
0x28: {  	s2 =	sld [smem:$0x3FAE]  }
0x29: {  	s4 =	sld [smem:$0x3FB0]  }
0x2a: {  	p0 =	seq.s32 s5, $0x0;
	s5 =	sld [smem:$0x3FB1]  }
0x2b: {  	s6 =	sld [smem:$0x3FB2]  }
0x2c: {  	s7 =	sld [smem:$0x3FB3]  }
0x2d: {  	s3 =	simm.s32 $0x108;
	s8 =	sld [smem:$0x3FB4]  }
0x2e: {  	s3 =	simm.s32 @!p0 $0x1082;
	s9 =	sld [smem:$0x3FB5]  }
0x2f: {  	lr =	sadd.s32 s0, s3;
	s0 =	sld [smem:$0x3FAC]  }
0x30: {  	s3 =	sld [smem:$0x3FAF]  }
0x31: {  	[smem:$0x3FB8] =	sst s10  }
0x32: {  	s10 =	sld [smem:$0x3FB6];
	_ =	sdelay $0x3  }
0x33: {  	p0 =	seq.s32 s10, $0x1;
	s10 =	sld [smem:$0x3FB8];
	_ =	sdelay $0x3  }
0x34: {  	[smem:$0x3FB8] =	sst s10  }
0x35: {  	s10 =	sld [smem:$0x3FB7];
	_ =	sdelay $0x3  }
0x36: {  	p1 =	seq.s32 s10, $0x1;
	s10 =	sld [smem:$0x3FB8];
	_ =	sdelay $0x3  }
0x37: {  	[smem:$0x3FB8] =	sst s10  }
0x38: {  	s10 =	sld [smem:$0x3FB9]  }
0x39: {  	_ = 	snop;
	(pc) =	sbr.ind lr, $3  }
0x3a: {  	_ = 	snop  }
0x3b: {  	_ = 	snop  }
0x3c: {  	p2 =	seq.s32 s10, $0x1;
	s10 =	sld [smem:$0x3FB8]  }
0x3d: {  	_ =	shalt  }
0x3e: {  	_ =	shalt  }
0x3f: {  	_ =	shalt  }
0x40: {  	_ =	shalt  }
0x41: {  	_ =	shalt  }
0x42: {  	_ =	shalt  }
0x43: {  	_ =	shalt  }
0x44: {  	_ =	shalt  }
0x45: {  	_ =	shalt  }
0x46: {  	_ =	shalt  }
0x47: {  	_ =	shalt  }
0x48: {  	_ =	shalt  }
0x49: {  	_ =	shalt  }
0x4a: {  	_ =	shalt  }
0x4b: {  	_ =	shalt  }
0x4c: {  	_ =	shalt  }
0x4d: {  	_ =	shalt  }
0x4e: {  	_ =	shalt  }
0x4f: {  	_ =	shalt  }
0x50: {  	_ =	shalt  }
0x51: {  	_ =	shalt  }
0x52: {  	_ =	shalt  }
0x53: {  	_ =	shalt  }
0x54: {  	_ =	shalt  }
0x55: {  	_ =	shalt  }
0x56: {  	_ =	shalt  }
0x57: {  	_ =	shalt  }
0x58: {  	_ =	shalt  }
0x59: {  	_ =	shalt  }
0x5a: {  	_ =	shalt  }
0x5b: {  	_ =	shalt  }
0x5c: {  	_ =	shalt  }
0x5d: {  	_ =	shalt  }
0x5e: {  	_ =	shalt  }
0x5f: {  	_ =	shalt  }
0x60: {  	_ =	shalt  }
0x61: {  	_ =	shalt  }
0x62: {  	_ =	shalt  }
0x63: {  	_ =	shalt  }
0x64: {  	_ =	shalt  }
0x65: {  	_ =	shalt  }
0x66: {  	_ =	shalt  }
0x67: {  	_ =	shalt  }
0x68: {  	_ =	shalt  }
0x69: {  	_ =	shalt  }
0x6a: {  	_ =	shalt  }
0x6b: {  	_ =	shalt  }
0x6c: {  	_ =	shalt  }
0x6d: {  	_ =	shalt  }
0x6e: {  	_ =	shalt  }
0x6f: {  	_ =	shalt  }
0x70: {  	_ =	shalt  }
0x71: {  	_ =	shalt  }
0x72: {  	_ =	shalt  }
0x73: {  	_ =	shalt  }
0x74: {  	_ =	shalt  }
0x75: {  	_ =	shalt  }
0x76: {  	_ =	shalt  }
0x77: {  	_ =	shalt  }
0x78: {  	_ =	shalt  }
0x79: {  	_ =	shalt  }
0x7a: {  	_ =	shalt  }
0x7b: {  	_ =	shalt  }
0x7c: {  	_ =	shalt  }
0x7d: {  	_ =	shalt  }
0x7e: {  	_ =	shalt  }
0x7f: {  	_ =	shalt  }
0x80: {  	_ =	shalt  }
0x81: {  	_ =	shalt  }
0x82: {  	_ =	shalt  }
0x83: {  	_ =	shalt  }
0x84: {  	_ =	shalt  }
0x85: {  	_ =	shalt  }
0x86: {  	_ =	shalt  }
0x87: {  	_ =	shalt  }
.Lfunc_end0:
.L_simem_size_0:
called_computation_lowered:
.L_overlay_start_0:
0x88: {  	s2 =	sld [smem:$0x3FD9]  }
0x89: {  	s3 =	sld [smem:$0x3FFE];
	_ =	sdelay $0x1  }
0x8a: {  	s1 =	srdreg.scid  }
0x8b: {  	s0 =	sand.u32 $0x1, s1  }
0x8c: {  	s17 =	sshll.u32 s0, $0xA;
	s2 =	sadd.s32 s3, s2  }
0x8d: {  	s2 =	sadd.s32 s2, s17  }
0x8e: {  	[smem:$0x3FC4] =	sst s2  }
0x8f: {  	_ = 	snop  }
0x90: {  	s2 =	sld [smem:$0x3FC9]  }
0x91: {  	s18 =	sld [smem:$0x3FC7]  }
0x92: {  	s4 =	sld [smem:$0x3FC6]  }
0x93: {  	s5 =	sld [smem:$0x3FD0];
	(tm) =	ssettm $0x1  }
0x94: {  	s6 =	sld [smem:$0x3FFB];
	_ =	sdelay $0x3  }
0x95: {  	_ =	strace s6  }
0x96: {  	s6 =	sld [smem:$0x3FFC];
	_ =	sdelay $0x3  }
0x97: {  	_ =	strace s6  }
0x98: {  	s6 =	sld [smem:$0x3FFD];
	_ =	sdelay $0x3  }
0x99: {  	_ =	strace s6  }
0x9a: {  	_ =	strace $0x8FFFFFFF  }
0x9b: {  	s19 =	sld [smem:$0x3FDB];
	_ =	sdelay $0x1  }
0x9c: {  	s7 =	simm.s32 $_scs_section_size  }
0x9d: {  	s8 =	simm.s32 $_size__tile_overlayer_lowered;
	s9 =	simm.s32 $_tile_overlayer_lowered  }
0x9e: {  	s22 =	simm.s32 $0x1BFF;
	s21 =	sshll.u32 s9, $0x1;
	s6 =	sadd.s32 s7, s19  }
0x9f: {  	s10 =	simm.s32 $0x0;
	s20 =	sshll.u32 s8, $0x1;
	s8 =	sadd.s32 s21, s6  }
0xa0: {  	[timem:s10], [sflag:s22] =	dma.local [hbm:s8], s20  }
0xa1: {  	_ =	swait.ge [sflag:s22], s20  }
0xa2: {  	s7 =	ssub.s32 $0x0, s20;
	[sflag:s22] =	ssyncset.done $0x0  }
0xa3: {  	[sflag:s22] =	ssyncadd.s32 s7;
	_ =	sdelay $0x1  }
0xa4: {  	s23 =	simm.s32 $0x1B8B  }
0xa5: {  	_ =	swait.ge [sflag:s23], $0x1  }
0xa6: {  	[sflag:s23] =	ssyncset.done $0x0  }
0xa7: {  	s25 =	simm.s32 $0x1B8E;
	s24 =	sld [smem:$0x3FFE];
	[sflag:s23] =	ssyncadd.s32 $0xFFFFFFFF  }
0xa8: {  	s26 =	simm.s32 $execute0_lowered;
	[smem:$0x3FD2] =	sst s25  }
0xa9: {  	s8 =	sshll.u32 s26, $0x1;
	_ =	strace $0x80000046;
	[dreg:$0x1] =	wrdreg $0xFFFFFFFF  }
0xaa: {  	s28 =	simm.s32 $_size_execute0_lowered;
	s6 =	sadd.s32 s6, s8;
	[dreg:$0x0] =	wrdreg $0x0  }
0xab: {  	s8 =	sshll.u32 s28, $0x1;
	[dreg:$0x2] =	wrdreg s6  }
0xac: {  	[dreg:$0x3] =	wrdreg s8  }
0xad: {  	[dreg:$0x4] =	wrdreg $0xC0  }
0xae: {  	_ =	task [dreg:s10], $0x5FFFF  }
0xaf: {  	[dreg:$0x1] =	wrdreg $0xFFFFFFFF  }
0xb0: {  	[dreg:$0x0] =	wrdreg $0x60  }
0xb1: {  	[dreg:$0x2] =	wrdreg s2  }
0xb2: {  	[dreg:$0x3] =	wrdreg s5  }
0xb3: {  	[dreg:$0x4] =	wrdreg s18  }
0xb4: {  	[dreg:$0x5] =	wrdreg s4  }
0xb5: {  	[dreg:$0x6] =	wrdreg s24  }
0xb6: {  	[dreg:$0x7] =	wrdreg $0x9  }
0xb7: {  	_ =	task.clear_ibuf [dreg:s10], $0x8FFFF;
	_ =	strace $0x90000046  }
0xb8: {  	s29 =	simm.s32 $0x9;
	_ =	strace $0x80000048  }
0xb9: {  	_ =	swait.ge [sflag:s29], $0x1  }
0xba: {  	[sflag:s29] =	ssyncadd.s32 $0xFFFFFFFF  }
0xbb: {  	_ =	strace $0x90000048  }
0xbc: {  	_ =	sfence  }
0xbd: {  	s30 =	sld [smem:$0x0];
	_ =	sdelay $0x2  }
0xbe: {  	s31 =	sshll.u32 s1, $0xD;
	s1 =	sshrl.u32 s1, $0x2  }
0xbf: {  	s3 =	sand.u32 $0x4000, s31;
	s1 =	sadd.s32 s1, s30  }
0xc0: {  	s0 =	sor.u32 s3, s0;
	s1 =	sshll.u32 s1, $0x11  }
0xc1: {  	s0 =	sor.u32 s1, s0  }
0xc2: {  	s0 =	sadd.s32 $0x8F2B, s0  }
0xc3: {  	[sflag:s0] =	ssyncadd.remote.s32 $0x1  }
0xc4: {  	_ =	sfence.sel $0xFFFF  }
0xc5: {  	[dreg:$0x0] =	wrdreg $0xFFFFFFFF;
	(pc) =	sbr.abs _section_cstart, $3  }
0xc6: {  	[dreg:$0x1] =	wrdreg $0xFFFFFFFF  }
0xc7: {  	_ =	task.clear_ibuf [dreg:s10], $0x2FFFF;
	_ =	strace $0x9FFFFFFF  }
0xc8: {  	(tm) =	ssettm $0x7FFFFFFF  }
0xc9: {  	_ =	shalt  }
tec
execute0_lowered:
.L_overlay_start_1:
0x0: {  	(tag) =	ssettag $0x1  }
0x1: {  	s0 =	rddreg [dreg:$0x0]  }
0x2: {  	s3 =	rddreg [dreg:$0x1]  }
0x3: {  	s1 =	rddreg [dreg:$0x2]  }
0x4: {  	s2 =	rddreg [dreg:$0x3]  }
0x5: {  	s5 =	rddreg [dreg:$0x4];
	s4 =	simm.s32 $0x0;
	s6 =	srdreg.scid  }
0x6: {  	s7 =	stileid.u32;
	s10 =	simm.s32 $0x3;
	s23 =	simm.s32 $0x14D00  }
0x7: {  	s28 =	simm.s32 $0x16D00;
	s29 =	simm.s32 $0x17500;
	s30 =	simm.s32 $0x17D00  }
0x8: {  	s31 =	simm.s32 $0x18500;
	s11 =	simm.s32 $0x2;
	s6 =	sand.u32 $0x1, s6  }
0x9: {  	[smem:$0x7FF] =	sst s4;
	s7 =	sshll.u32 s7, $0x1;
	s8 =	ssub.s32 $0x2, s6  }
0xa: {  	s5 =	sadd.s32 $0x400, s5;
	s7 =	sor.u32 s6, s7;
	s24 =	sshrl.u32 s8, $0x1  }
0xb: {  	s9 =	smul.u32 $0x540, s7;
	s6 =	sshll.u32 s7, $0x9;
	s7 =	sshll.u32 s7, $0x6  }
0xc: {  	_ =	strace $0x80000047;
	s8 =	ssub.s32 s8, s24;
	s0 =	sadd.s32 s0, s7  }
0xd: {  	s24 =	simm.s32 $0x15500;
	s7 =	simm.s32 $0x18D00;
	[dreg:$0x6] =	wrdreg s0  }
0xe: {  	v2 =	vlaneseq.u32;
	s25 =	sadd.s32 s3, s9;
	s26 =	smax.u32 s8, $0x1;
	s0 =	simm.s32 $0x1  }
0xf: {  	vm0 =	vmmov $0xffff;
	vm1 =	vcmask $0x3F3C;
	v1 =	vshrl.u32 v2, $0x3;
	s3 =	simm.s32 $0xDC00;
	s9 =	simm.s32 $0x0;
	[dreg:$0x7] =	wrdreg s25  }
0x10: {  	v0 =	vand.u32 $0x7, v2;
	v2 =	vor.u32 $0x8, v2;
	v1 =	vmul.u32 $0x8, v1;
	[dreg:$0x8] =	wrdreg s26;
	s25 =	simm.s32 $0x15D00;
	s26 =	simm.s32 $0x16500  }
.LBB2_1:
0x11: {  	[dreg:$0x9] =	wrdreg s9  }
0x12: {  	s8 =	rddreg [dreg:$0x6]  }
0x13: {  	[tilespmem:s4], [sflag:$0x3] =	stream.linear.gather [hbm4b:s8+s4], $0x200, $0x38;
	[tilespmem:$0x18E00] =	vst v63  }
0x14: {  	_ =	swait.ge [sflag:s10], $0x200  }
0x15: {  	[sflag:s10] =	ssyncset.done $0x0  }
0x16: {  	s22 =	simm.s32 $0x200;
	s21 =	rddreg [dreg:$0x7];
	[sflag:s10] =	ssyncadd.s32 $0xFFFFFE00  }
0x17: {  	[tilespmem:s22], [sflag:$0x3] =	stream.linear.gather [hbm4b:s21+s4], $0x2A00, $0x38;
	[tilespmem:$0x18E00] =	vst v63  }
0x18: {  	_ =	swait.ge [sflag:s10], $0x2A00  }
0x19: {  	[sflag:s10] =	ssyncset.done $0x0  }
0x1a: {  	[sflag:s10] =	ssyncadd.s32 $0xFFFFD600  }
0x1b: {  	v3 =	vld.msk [tilespmem:$0x0], $0xff;
	_ =	sdelay $0x4  }
0x1c: {  	v4 =	vshll.u32 v3, $0x1  }
0x1d: {  	v3 =	vand.u32 $0x7, v3;
	v4 =	vand.u32 $0xFFFFFFF0, v4  }
0x1e: {  	v3 =	vor.u32 v3, v4  }
0x1f: {  	v3 =	vperm.xlane v3, v0;
	_ =	sdelay $0x1  }
0x20: {  	v3 =	vadd.s32 v1, v3;
	_ =	sdelay $0x3  }
0x21: {  	s9 =	simm.s32 $0x2C00  }
0x22: {  	[tilespmem:s9], [sflag:$0x1] =	stream.indirect_vreg.gather [hbm4b:s1+s4], $0x80, v3, vm0, $0xb8;
	[tilespmem:$0x18E00] =	vst v63  }
0x23: {  	v3 =	vld [tilespmem:$0x200];
	_ =	sdelay $0x4  }
0x24: {  	v39 =	vshll.u32 v3, $0x1  }
0x25: {  	v3 =	vand.u32 $0x7, v3;
	v4 =	vand.u32 $0xFFFFFFF0, v39  }
0x26: {  	v3 =	vor.u32 v3, v4  }
0x27: {  	v4 =	vperm.xlane v3, v0;
	_ =	sdelay $0x1  }
0x28: {  	v3 =	vperm.xlane v3, v2;
	v4 =	vadd.s32 v1, v4;
	_ =	sdelay $0x1  }
0x29: {  	v3 =	vadd.s32 v1, v3;
	_ =	sdelay $0x1  }
0x2a: {  	s12 =	simm.s32 $0x3400  }
0x2b: {  	[tilespmem:s12], [sflag:$0x1] =	stream.indirect_vreg.gather [hbm4b:s2+s4], $0x80, v4, vm0, $0xb8;
	[tilespmem:$0x18E00] =	vst v63  }
0x2c: {  	s13 =	simm.s32 $0x3C00  }
0x2d: {  	[tilespmem:s13], [sflag:$0x1] =	stream.indirect_vreg.gather [hbm4b:s2+s4], $0x80, v3, vm0, $0xb8;
	[tilespmem:$0x18E00] =	vst v63  }
0x2e: {  	v3 =	vld [tilespmem:$0x210];
	_ =	sdelay $0x4  }
0x2f: {  	v40 =	vshll.u32 v3, $0x1  }
0x30: {  	v3 =	vand.u32 $0x7, v3;
	v4 =	vand.u32 $0xFFFFFFF0, v40  }
0x31: {  	v3 =	vor.u32 v3, v4  }
0x32: {  	v4 =	vperm.xlane v3, v0;
	_ =	sdelay $0x1  }
0x33: {  	v3 =	vperm.xlane v3, v2;
	v4 =	vadd.s32 v1, v4;
	_ =	sdelay $0x1  }
0x34: {  	v3 =	vadd.s32 v1, v3;
	_ =	sdelay $0x1  }
0x35: {  	s14 =	simm.s32 $0x4400  }
0x36: {  	[tilespmem:s14], [sflag:$0x1] =	stream.indirect_vreg.gather [hbm4b:s2+s4], $0x80, v4, vm0, $0xb8;
	[tilespmem:$0x18E00] =	vst v63  }
0x37: {  	s15 =	simm.s32 $0x4C00  }
0x38: {  	[tilespmem:s15], [sflag:$0x1] =	stream.indirect_vreg.gather [hbm4b:s2+s4], $0x80, v3, vm0, $0xb8;
	[tilespmem:$0x18E00] =	vst v63  }
0x39: {  	v3 =	vld [tilespmem:$0x220];
	_ =	sdelay $0x4  }
0x3a: {  	v41 =	vshll.u32 v3, $0x1  }
0x3b: {  	v3 =	vand.u32 $0x7, v3;
	v4 =	vand.u32 $0xFFFFFFF0, v41  }
0x3c: {  	v3 =	vor.u32 v3, v4  }
0x3d: {  	v4 =	vperm.xlane v3, v0;
	_ =	sdelay $0x1  }
0x3e: {  	v3 =	vperm.xlane v3, v2;
	v4 =	vadd.s32 v1, v4;
	_ =	sdelay $0x1  }
0x3f: {  	v3 =	vadd.s32 v1, v3;
	_ =	sdelay $0x1  }
0x40: {  	s16 =	simm.s32 $0x5400  }
0x41: {  	[tilespmem:s16], [sflag:$0x1] =	stream.indirect_vreg.gather [hbm4b:s2+s4], $0x80, v4, vm0, $0xb8;
	[tilespmem:$0x18E00] =	vst v63  }
0x42: {  	s17 =	simm.s32 $0x5C00  }
0x43: {  	[tilespmem:s17], [sflag:$0x1] =	stream.indirect_vreg.gather [hbm4b:s2+s4], $0x80, v3, vm0, $0xb8;
	[tilespmem:$0x18E00] =	vst v63  }
0x44: {  	v3 =	vld.msk [tilespmem:$0x230], $0xff;
	_ =	sdelay $0x4  }
0x45: {  	v42 =	vshll.u32 v3, $0x1  }
0x46: {  	v3 =	vand.u32 $0x7, v3;
	v4 =	vand.u32 $0xFFFFFFF0, v42  }
0x47: {  	v3 =	vor.u32 v3, v4  }
0x48: {  	v3 =	vperm.xlane v3, v0;
	_ =	sdelay $0x1  }
0x49: {  	v3 =	vadd.s32 v1, v3;
	_ =	sdelay $0x3  }
0x4a: {  	s18 =	simm.s32 $0x6400  }
0x4b: {  	[tilespmem:s18], [sflag:$0x1] =	stream.indirect_vreg.gather [hbm4b:s2+s4], $0x80, v3, vm0, $0xb8;
	[tilespmem:$0x18E00] =	vst v63  }
0x4c: {  	v3 =	vld [tilespmem:$0x238];
	_ =	sdelay $0x4  }
0x4d: {  	v43 =	vshll.u32 v3, $0x1  }
0x4e: {  	v3 =	vand.u32 $0x7, v3;
	v4 =	vand.u32 $0xFFFFFFF0, v43  }
0x4f: {  	v3 =	vor.u32 v3, v4  }
0x50: {  	v4 =	vperm.xlane v3, v0;
	_ =	sdelay $0x1  }
0x51: {  	v3 =	vperm.xlane v3, v2;
	v4 =	vadd.s32 v1, v4;
	_ =	sdelay $0x1  }
0x52: {  	v3 =	vadd.s32 v1, v3;
	_ =	sdelay $0x1  }
0x53: {  	s19 =	simm.s32 $0x6C00  }
0x54: {  	[tilespmem:s19], [sflag:$0x1] =	stream.indirect_vreg.gather [hbm4b:s2+s4], $0x80, v4, vm0, $0xb8;
	[tilespmem:$0x18E00] =	vst v63  }
0x55: {  	s20 =	simm.s32 $0x7400  }
0x56: {  	[tilespmem:s20], [sflag:$0x1] =	stream.indirect_vreg.gather [hbm4b:s2+s4], $0x80, v3, vm0, $0xb8;
	[tilespmem:$0x18E00] =	vst v63  }
0x57: {  	v3 =	vld [tilespmem:$0x248];
	_ =	sdelay $0x4  }
0x58: {  	v44 =	vshll.u32 v3, $0x1  }
0x59: {  	v3 =	vand.u32 $0x7, v3;
	v4 =	vand.u32 $0xFFFFFFF0, v44  }
0x5a: {  	v3 =	vor.u32 v3, v4  }
0x5b: {  	v4 =	vperm.xlane v3, v0;
	_ =	sdelay $0x1  }
0x5c: {  	v3 =	vperm.xlane v3, v2;
	v4 =	vadd.s32 v1, v4;
	_ =	sdelay $0x1  }
0x5d: {  	v3 =	vadd.s32 v1, v3;
	_ =	sdelay $0x1  }
0x5e: {  	s21 =	simm.s32 $0x7C00  }
0x5f: {  	[tilespmem:s21], [sflag:$0x1] =	stream.indirect_vreg.gather [hbm4b:s2+s4], $0x80, v4, vm0, $0xb8;
	[tilespmem:$0x18E00] =	vst v63  }
0x60: {  	s22 =	simm.s32 $0x8400  }
0x61: {  	[tilespmem:s22], [sflag:$0x1] =	stream.indirect_vreg.gather [hbm4b:s2+s4], $0x80, v3, vm0, $0xb8;
	[tilespmem:$0x18E00] =	vst v63  }
0x62: {  	v3 =	vld [tilespmem:$0x258];
	_ =	sdelay $0x4  }
0x63: {  	v45 =	vshll.u32 v3, $0x1  }
0x64: {  	v3 =	vand.u32 $0x7, v3;
	v4 =	vand.u32 $0xFFFFFFF0, v45  }
0x65: {  	v3 =	vor.u32 v3, v4  }
0x66: {  	v4 =	vperm.xlane v3, v0;
	_ =	sdelay $0x1  }
0x67: {  	v3 =	vperm.xlane v3, v2;
	v4 =	vadd.s32 v1, v4;
	_ =	sdelay $0x1  }
0x68: {  	v3 =	vadd.s32 v1, v3;
	_ =	sdelay $0x1  }
0x69: {  	s9 =	simm.s32 $0x8C00  }
0x6a: {  	[tilespmem:s9], [sflag:$0x1] =	stream.indirect_vreg.gather [hbm4b:s2+s4], $0x80, v4, vm0, $0xb8;
	[tilespmem:$0x18E00] =	vst v63  }
0x6b: {  	s12 =	simm.s32 $0x9400  }
0x6c: {  	[tilespmem:s12], [sflag:$0x1] =	stream.indirect_vreg.gather [hbm4b:s2+s4], $0x80, v3, vm0, $0xb8;
	[tilespmem:$0x18E00] =	vst v63  }
0x6d: {  	v3 =	vld.msk [tilespmem:$0x268], $0xff;
	_ =	sdelay $0x4  }
0x6e: {  	v46 =	vshll.u32 v3, $0x1  }
0x6f: {  	v3 =	vand.u32 $0x7, v3;
	v4 =	vand.u32 $0xFFFFFFF0, v46  }
0x70: {  	v3 =	vor.u32 v3, v4  }
0x71: {  	v3 =	vperm.xlane v3, v0;
	_ =	sdelay $0x1  }
0x72: {  	v3 =	vadd.s32 v1, v3;
	_ =	sdelay $0x3  }
0x73: {  	s13 =	simm.s32 $0x9C00  }
0x74: {  	[tilespmem:s13], [sflag:$0x1] =	stream.indirect_vreg.gather [hbm4b:s2+s4], $0x80, v3, vm0, $0xb8;
	[tilespmem:$0x18E00] =	vst v63  }
0x75: {  	v3 =	vld [tilespmem:$0x270];
	_ =	sdelay $0x4  }
0x76: {  	v47 =	vshll.u32 v3, $0x1  }
0x77: {  	v3 =	vand.u32 $0x7, v3;
	v4 =	vand.u32 $0xFFFFFFF0, v47  }
0x78: {  	v3 =	vor.u32 v3, v4  }
0x79: {  	v4 =	vperm.xlane v3, v0;
	_ =	sdelay $0x1  }
0x7a: {  	v3 =	vperm.xlane v3, v2;
	v4 =	vadd.s32 v1, v4;
	_ =	sdelay $0x1  }
0x7b: {  	v3 =	vadd.s32 v1, v3;
	_ =	sdelay $0x1  }
0x7c: {  	s14 =	simm.s32 $0xA400  }
0x7d: {  	[tilespmem:s14], [sflag:$0x1] =	stream.indirect_vreg.gather [hbm4b:s2+s4], $0x80, v4, vm0, $0xb8;
	[tilespmem:$0x18E00] =	vst v63  }
0x7e: {  	s15 =	simm.s32 $0xAC00  }
0x7f: {  	[tilespmem:s15], [sflag:$0x1] =	stream.indirect_vreg.gather [hbm4b:s2+s4], $0x80, v3, vm0, $0xb8;
	[tilespmem:$0x18E00] =	vst v63  }
0x80: {  	v3 =	vld [tilespmem:$0x280];
	_ =	sdelay $0x4  }
0x81: {  	v48 =	vshll.u32 v3, $0x1  }
0x82: {  	v3 =	vand.u32 $0x7, v3;
	v4 =	vand.u32 $0xFFFFFFF0, v48  }
0x83: {  	v3 =	vor.u32 v3, v4  }
0x84: {  	v4 =	vperm.xlane v3, v0;
	_ =	sdelay $0x1  }
0x85: {  	v3 =	vperm.xlane v3, v2;
	v4 =	vadd.s32 v1, v4;
	_ =	sdelay $0x1  }
0x86: {  	v3 =	vadd.s32 v1, v3;
	_ =	sdelay $0x1  }
0x87: {  	s16 =	simm.s32 $0xB400  }
0x88: {  	[tilespmem:s16], [sflag:$0x1] =	stream.indirect_vreg.gather [hbm4b:s2+s4], $0x80, v4, vm0, $0xb8;
	[tilespmem:$0x18E00] =	vst v63  }
0x89: {  	s17 =	simm.s32 $0xBC00  }
0x8a: {  	[tilespmem:s17], [sflag:$0x1] =	stream.indirect_vreg.gather [hbm4b:s2+s4], $0x80, v3, vm0, $0xb8;
	[tilespmem:$0x18E00] =	vst v63  }
0x8b: {  	v3 =	vld [tilespmem:$0x290];
	_ =	sdelay $0x4  }
0x8c: {  	v49 =	vshll.u32 v3, $0x1  }
0x8d: {  	v3 =	vand.u32 $0x7, v3;
	v4 =	vand.u32 $0xFFFFFFF0, v49  }
0x8e: {  	v3 =	vor.u32 v3, v4  }
0x8f: {  	v4 =	vperm.xlane v3, v0;
	_ =	sdelay $0x1  }
0x90: {  	v3 =	vperm.xlane v3, v2;
	v4 =	vadd.s32 v1, v4;
	_ =	sdelay $0x1  }
0x91: {  	v3 =	vadd.s32 v1, v3;
	_ =	sdelay $0x1  }
0x92: {  	s18 =	simm.s32 $0xC400  }
0x93: {  	[tilespmem:s18], [sflag:$0x1] =	stream.indirect_vreg.gather [hbm4b:s2+s4], $0x80, v4, vm0, $0xb8;
	[tilespmem:$0x18E00] =	vst v63  }
0x94: {  	s19 =	simm.s32 $0xCC00  }
0x95: {  	[tilespmem:s19], [sflag:$0x1] =	stream.indirect_vreg.gather [hbm4b:s2+s4], $0x80, v3, vm0, $0xb8;
	[tilespmem:$0x18E00] =	vst v63  }
0x96: {  	v3 =	vld.msk [tilespmem:$0x2A0], $0xff;
	_ =	sdelay $0x4  }
0x97: {  	v50 =	vshll.u32 v3, $0x1  }
0x98: {  	v3 =	vand.u32 $0x7, v3;
	v4 =	vand.u32 $0xFFFFFFF0, v50  }
0x99: {  	v3 =	vor.u32 v3, v4  }
0x9a: {  	v3 =	vperm.xlane v3, v0;
	_ =	sdelay $0x1  }
0x9b: {  	v3 =	vadd.s32 v1, v3;
	_ =	sdelay $0x3  }
0x9c: {  	s20 =	simm.s32 $0xD400  }
0x9d: {  	[tilespmem:s20], [sflag:$0x1] =	stream.indirect_vreg.gather [hbm4b:s2+s4], $0x80, v3, vm0, $0xb8;
	[tilespmem:$0x18E00] =	vst v63  }
0x9e: {  	v3 =	vld.msk [tilespmem:$0x8], $0xff;
	_ =	sdelay $0x4  }
0x9f: {  	v51 =	vshll.u32 v3, $0x1  }
0xa0: {  	v3 =	vand.u32 $0x7, v3;
	v4 =	vand.u32 $0xFFFFFFF0, v51  }
0xa1: {  	v3 =	vor.u32 v3, v4  }
0xa2: {  	v3 =	vperm.xlane v3, v0;
	_ =	sdelay $0x1  }
0xa3: {  	v3 =	vadd.s32 v1, v3;
	_ =	sdelay $0x3  }
0xa4: {  	s21 =	simm.s32 $0xDD00  }
0xa5: {  	[tilespmem:s21], [sflag:$0x2] =	stream.indirect_vreg.gather [hbm4b:s1+s4], $0x80, v3, vm0, $0xb8;
	[tilespmem:$0x18E00] =	vst v63  }
0xa6: {  	v3 =	vld [tilespmem:$0x2A8];
	_ =	sdelay $0x4  }
0xa7: {  	v52 =	vshll.u32 v3, $0x1  }
0xa8: {  	v3 =	vand.u32 $0x7, v3;
	v4 =	vand.u32 $0xFFFFFFF0, v52  }
0xa9: {  	v3 =	vor.u32 v3, v4  }
0xaa: {  	v4 =	vperm.xlane v3, v0;
	_ =	sdelay $0x1  }
0xab: {  	v3 =	vperm.xlane v3, v2;
	v4 =	vadd.s32 v1, v4;
	_ =	sdelay $0x1  }
0xac: {  	v3 =	vadd.s32 v1, v3;
	_ =	sdelay $0x1  }
0xad: {  	s22 =	simm.s32 $0xE500  }
0xae: {  	[tilespmem:s22], [sflag:$0x2] =	stream.indirect_vreg.gather [hbm4b:s2+s4], $0x80, v4, vm0, $0xb8;
	[tilespmem:$0x18E00] =	vst v63  }
0xaf: {  	s9 =	simm.s32 $0xED00  }
0xb0: {  	[tilespmem:s9], [sflag:$0x2] =	stream.indirect_vreg.gather [hbm4b:s2+s4], $0x80, v3, vm0, $0xb8;
	[tilespmem:$0x18E00] =	vst v63  }
0xb1: {  	v3 =	vld [tilespmem:$0x2B8];
	_ =	sdelay $0x4  }
0xb2: {  	v53 =	vshll.u32 v3, $0x1  }
0xb3: {  	v3 =	vand.u32 $0x7, v3;
	v4 =	vand.u32 $0xFFFFFFF0, v53  }
0xb4: {  	v3 =	vor.u32 v3, v4  }
0xb5: {  	v4 =	vperm.xlane v3, v0;
	_ =	sdelay $0x1  }
0xb6: {  	v3 =	vperm.xlane v3, v2;
	v4 =	vadd.s32 v1, v4;
	_ =	sdelay $0x1  }
0xb7: {  	v3 =	vadd.s32 v1, v3;
	_ =	sdelay $0x1  }
0xb8: {  	s12 =	simm.s32 $0xF500  }
0xb9: {  	[tilespmem:s12], [sflag:$0x2] =	stream.indirect_vreg.gather [hbm4b:s2+s4], $0x80, v4, vm0, $0xb8;
	[tilespmem:$0x18E00] =	vst v63  }
0xba: {  	s13 =	simm.s32 $0xFD00  }
0xbb: {  	[tilespmem:s13], [sflag:$0x2] =	stream.indirect_vreg.gather [hbm4b:s2+s4], $0x80, v3, vm0, $0xb8;
	[tilespmem:$0x18E00] =	vst v63  }
0xbc: {  	v3 =	vld [tilespmem:$0x2C8];
	_ =	sdelay $0x4  }
0xbd: {  	v54 =	vshll.u32 v3, $0x1  }
0xbe: {  	v3 =	vand.u32 $0x7, v3;
	v4 =	vand.u32 $0xFFFFFFF0, v54  }
0xbf: {  	v3 =	vor.u32 v3, v4  }
0xc0: {  	v4 =	vperm.xlane v3, v0;
	_ =	sdelay $0x1  }
0xc1: {  	v3 =	vperm.xlane v3, v2;
	v4 =	vadd.s32 v1, v4;
	_ =	sdelay $0x1  }
0xc2: {  	v3 =	vadd.s32 v1, v3;
	_ =	sdelay $0x1  }
0xc3: {  	s14 =	simm.s32 $0x10500  }
0xc4: {  	[tilespmem:s14], [sflag:$0x2] =	stream.indirect_vreg.gather [hbm4b:s2+s4], $0x80, v4, vm0, $0xb8;
	[tilespmem:$0x18E00] =	vst v63  }
0xc5: {  	s15 =	simm.s32 $0x10D00  }
0xc6: {  	[tilespmem:s15], [sflag:$0x2] =	stream.indirect_vreg.gather [hbm4b:s2+s4], $0x80, v3, vm0, $0xb8;
	[tilespmem:$0x18E00] =	vst v63  }
0xc7: {  	v3 =	vld.msk [tilespmem:$0x2D8], $0xff;
	_ =	sdelay $0x4  }
0xc8: {  	v55 =	vshll.u32 v3, $0x1  }
0xc9: {  	v3 =	vand.u32 $0x7, v3;
	v4 =	vand.u32 $0xFFFFFFF0, v55  }
0xca: {  	v3 =	vor.u32 v3, v4  }
0xcb: {  	v3 =	vperm.xlane v3, v0;
	_ =	sdelay $0x1  }
0xcc: {  	v3 =	vadd.s32 v1, v3;
	_ =	sdelay $0x3  }
0xcd: {  	s16 =	simm.s32 $0x11500  }
0xce: {  	[tilespmem:s16], [sflag:$0x2] =	stream.indirect_vreg.gather [hbm4b:s2+s4], $0x80, v3, vm0, $0xb8;
	[tilespmem:$0x18E00] =	vst v63  }
0xcf: {  	v3 =	vld [tilespmem:$0x2E0];
	_ =	sdelay $0x4  }
0xd0: {  	v56 =	vshll.u32 v3, $0x1  }
0xd1: {  	v3 =	vand.u32 $0x7, v3;
	v4 =	vand.u32 $0xFFFFFFF0, v56  }
0xd2: {  	v3 =	vor.u32 v3, v4  }
0xd3: {  	v4 =	vperm.xlane v3, v0;
	_ =	sdelay $0x1  }
0xd4: {  	v3 =	vperm.xlane v3, v2;
	v4 =	vadd.s32 v1, v4;
	_ =	sdelay $0x1  }
0xd5: {  	v3 =	vadd.s32 v1, v3;
	_ =	sdelay $0x1  }
0xd6: {  	s17 =	simm.s32 $0x11D00  }
0xd7: {  	[tilespmem:s17], [sflag:$0x2] =	stream.indirect_vreg.gather [hbm4b:s2+s4], $0x80, v4, vm0, $0xb8;
	[tilespmem:$0x18E00] =	vst v63  }
0xd8: {  	s18 =	simm.s32 $0x12500  }
0xd9: {  	[tilespmem:s18], [sflag:$0x2] =	stream.indirect_vreg.gather [hbm4b:s2+s4], $0x80, v3, vm0, $0xb8;
	[tilespmem:$0x18E00] =	vst v63  }
0xda: {  	v3 =	vld [tilespmem:$0x2F0];
	_ =	sdelay $0x4  }
0xdb: {  	v57 =	vshll.u32 v3, $0x1  }
0xdc: {  	v3 =	vand.u32 $0x7, v3;
	v4 =	vand.u32 $0xFFFFFFF0, v57  }
0xdd: {  	v3 =	vor.u32 v3, v4  }
0xde: {  	v4 =	vperm.xlane v3, v0;
	_ =	sdelay $0x1  }
0xdf: {  	v3 =	vperm.xlane v3, v2;
	v4 =	vadd.s32 v1, v4;
	_ =	sdelay $0x1  }
0xe0: {  	v3 =	vadd.s32 v1, v3;
	_ =	sdelay $0x1  }
0xe1: {  	s19 =	simm.s32 $0x12D00  }
0xe2: {  	[tilespmem:s19], [sflag:$0x2] =	stream.indirect_vreg.gather [hbm4b:s2+s4], $0x80, v4, vm0, $0xb8;
	[tilespmem:$0x18E00] =	vst v63  }
0xe3: {  	s20 =	simm.s32 $0x13500  }
0xe4: {  	[tilespmem:s20], [sflag:$0x2] =	stream.indirect_vreg.gather [hbm4b:s2+s4], $0x80, v3, vm0, $0xb8;
	[tilespmem:$0x18E00] =	vst v63  }
0xe5: {  	v3 =	vld [tilespmem:$0x300];
	_ =	sdelay $0x4  }
0xe6: {  	v58 =	vshll.u32 v3, $0x1  }
0xe7: {  	v3 =	vand.u32 $0x7, v3;
	v4 =	vand.u32 $0xFFFFFFF0, v58  }
0xe8: {  	v3 =	vor.u32 v3, v4  }
0xe9: {  	v4 =	vperm.xlane v3, v0;
	_ =	sdelay $0x1  }
0xea: {  	v3 =	vperm.xlane v3, v2;
	v4 =	vadd.s32 v1, v4;
	_ =	sdelay $0x1  }
0xeb: {  	v3 =	vadd.s32 v1, v3;
	_ =	sdelay $0x1  }
0xec: {  	s21 =	simm.s32 $0x13D00  }
0xed: {  	[tilespmem:s21], [sflag:$0x2] =	stream.indirect_vreg.gather [hbm4b:s2+s4], $0x80, v4, vm0, $0xb8;
	[tilespmem:$0x18E00] =	vst v63  }
0xee: {  	s22 =	simm.s32 $0x14500  }
0xef: {  	[tilespmem:s22], [sflag:$0x2] =	stream.indirect_vreg.gather [hbm4b:s2+s4], $0x80, v3, vm0, $0xb8;
	[tilespmem:$0x18E00] =	vst v63  }
0xf0: {  	v3 =	vld.msk [tilespmem:$0x310], $0xff;
	_ =	sdelay $0x4  }
0xf1: {  	v59 =	vshll.u32 v3, $0x1  }
0xf2: {  	v3 =	vand.u32 $0x7, v3;
	v4 =	vand.u32 $0xFFFFFFF0, v59  }
0xf3: {  	v3 =	vor.u32 v3, v4  }
0xf4: {  	v3 =	vperm.xlane v3, v0;
	_ =	sdelay $0x1  }
0xf5: {  	v3 =	vadd.s32 v1, v3;
	_ =	sdelay $0x4  }
0xf6: {  	[tilespmem:s23], [sflag:$0x2] =	stream.indirect_vreg.gather [hbm4b:s2+s4], $0x80, v3, vm0, $0xb8;
	[tilespmem:$0x18E00] =	vst v63  }
0xf7: {  	v3 =	vld [tilespmem:$0x318];
	_ =	sdelay $0x4  }
0xf8: {  	v60 =	vshll.u32 v3, $0x1  }
0xf9: {  	v3 =	vand.u32 $0x7, v3;
	v4 =	vand.u32 $0xFFFFFFF0, v60  }
0xfa: {  	v3 =	vor.u32 v3, v4  }
0xfb: {  	v4 =	vperm.xlane v3, v0;
	_ =	sdelay $0x1  }
0xfc: {  	v3 =	vperm.xlane v3, v2;
	v4 =	vadd.s32 v1, v4;
	_ =	sdelay $0x1  }
0xfd: {  	v3 =	vadd.s32 v1, v3;
	_ =	sdelay $0x2  }
0xfe: {  	[tilespmem:s24], [sflag:$0x2] =	stream.indirect_vreg.gather [hbm4b:s2+s4], $0x80, v4, vm0, $0xb8;
	[tilespmem:$0x18E00] =	vst v63  }
0xff: {  	_ = 	snop  }
0x100: {  	[tilespmem:s25], [sflag:$0x2] =	stream.indirect_vreg.gather [hbm4b:s2+s4], $0x80, v3, vm0, $0xb8;
	[tilespmem:$0x18E00] =	vst v63  }
0x101: {  	v3 =	vld [tilespmem:$0x328];
	_ =	sdelay $0x4  }
0x102: {  	v61 =	vshll.u32 v3, $0x1  }
0x103: {  	v3 =	vand.u32 $0x7, v3;
	v4 =	vand.u32 $0xFFFFFFF0, v61  }
0x104: {  	v3 =	vor.u32 v3, v4  }
0x105: {  	v4 =	vperm.xlane v3, v0;
	_ =	sdelay $0x1  }
0x106: {  	v3 =	vperm.xlane v3, v2;
	v4 =	vadd.s32 v1, v4;
	_ =	sdelay $0x1  }
0x107: {  	v3 =	vadd.s32 v1, v3;
	_ =	sdelay $0x2  }
0x108: {  	[tilespmem:s26], [sflag:$0x2] =	stream.indirect_vreg.gather [hbm4b:s2+s4], $0x80, v4, vm0, $0xb8;
	[tilespmem:$0x18E00] =	vst v63  }
0x109: {  	_ = 	snop  }
0x10a: {  	[tilespmem:s28], [sflag:$0x2] =	stream.indirect_vreg.gather [hbm4b:s2+s4], $0x80, v3, vm0, $0xb8;
	[tilespmem:$0x18E00] =	vst v63  }
0x10b: {  	v3 =	vld [tilespmem:$0x338];
	_ =	sdelay $0x4  }
0x10c: {  	v62 =	vshll.u32 v3, $0x1  }
0x10d: {  	v3 =	vand.u32 $0x7, v3;
	v4 =	vand.u32 $0xFFFFFFF0, v62  }
0x10e: {  	v3 =	vor.u32 v3, v4  }
0x10f: {  	v4 =	vperm.xlane v3, v0;
	_ =	sdelay $0x1  }
0x110: {  	v3 =	vperm.xlane v3, v2;
	v4 =	vadd.s32 v1, v4;
	_ =	sdelay $0x1  }
0x111: {  	v3 =	vadd.s32 v1, v3;
	_ =	sdelay $0x2  }
0x112: {  	[tilespmem:s29], [sflag:$0x2] =	stream.indirect_vreg.gather [hbm4b:s2+s4], $0x80, v4, vm0, $0xb8;
	[tilespmem:$0x18E00] =	vst v63  }
0x113: {  	_ = 	snop  }
0x114: {  	[tilespmem:s30], [sflag:$0x2] =	stream.indirect_vreg.gather [hbm4b:s2+s4], $0x80, v3, vm0, $0xb8;
	[tilespmem:$0x18E00] =	vst v63  }
0x115: {  	v3 =	vld.msk [tilespmem:$0x348], $0xff;
	_ =	sdelay $0x4  }
0x116: {  	v63 =	vshll.u32 v3, $0x1  }
0x117: {  	v3 =	vand.u32 $0x7, v3;
	v4 =	vand.u32 $0xFFFFFFF0, v63  }
0x118: {  	v3 =	vor.u32 v3, v4  }
0x119: {  	v3 =	vperm.xlane v3, v0;
	_ =	sdelay $0x1  }
0x11a: {  	v3 =	vadd.s32 v1, v3;
	_ =	sdelay $0x3  }
0x11b: {  	s8 =	simm.s32 $0x0  }
0x11c: {  	[tilespmem:s31], [sflag:$0x2] =	stream.indirect_vreg.gather [hbm4b:s2+s4], $0x80, v3, vm0, $0xb8;
	[tilespmem:$0x18E00] =	vst v63  }
.LBB2_2:
0x11d: {  	_ =	swait.ge [sflag:s0], $0x800  }
0x11e: {  	[sflag:s0] =	ssyncset.done $0x0  }
0x11f: {  	[sflag:s0] =	ssyncadd.s32 $0xFFFFF800  }
0x120: {  	_ =	swait.ge [sflag:s0], $0x3800  }
0x121: {  	[sflag:s0] =	ssyncset.done $0x0  }
0x122: {  	[sflag:s0] =	ssyncadd.s32 $0xFFFFC800  }
0x123: {  	_ =	swait.ge [sflag:s0], $0x3800  }
0x124: {  	[sflag:s0] =	ssyncset.done $0x0  }
0x125: {  	[sflag:s0] =	ssyncadd.s32 $0xFFFFC800  }
0x126: {  	_ =	swait.ge [sflag:s0], $0x3800  }
0x127: {  	s9 =	simm.s32 $0x0;
	s12 =	simm.s32 $0x0;
	[sflag:s0] =	ssyncset.done $0x0  }
0x128: {  	s13 =	simm.s32 $0x0;
	s14 =	simm.s32 $0x0;
	[sflag:s0] =	ssyncadd.s32 $0xFFFFC800  }
.LBB2_3:
0x129: {  	s15 =	sshll.u32 s14, $0x7  }
0x12a: {  	s15 =	sand.u32 $0x3FFFFF80, s15  }
0x12b: {  	v12 =	vld [tilespmem:s15+$0x2C00]  }
0x12c: {  	v10 =	vld [tilespmem:s15+$0x2C10]  }
0x12d: {  	v7 =	vld [tilespmem:s15+$0x2C20]  }
0x12e: {  	v3 =	vld [tilespmem:s15+$0x2C30]  }
0x12f: {  	v14 =	vld [tilespmem:s15+$0x2C40]  }
0x130: {  	v13 =	vld [tilespmem:s15+$0x2C50]  }
0x131: {  	v11 =	vld [tilespmem:s15+$0x2C60]  }
0x132: {  	v8 =	vld [tilespmem:s15+$0x2C70]  }
0x133: {  	v15 =	vld [tilespmem:s15+$0x3000]  }
0x134: {  	v16 =	vld [tilespmem:s15+$0x3010]  }
0x135: {  	v9 =	vld [tilespmem:s15+$0x3020]  }
0x136: {  	v4 =	vld [tilespmem:s15+$0x3030]  }
0x137: {  	v17 =	vld [tilespmem:s15+$0x3040]  }
0x138: {  	v18 =	vld [tilespmem:s15+$0x3050]  }
0x139: {  	s16 =	sand.u32 $0x1F800, s9;
	s17 =	sand.u32 $0x380, s13;
	v5 =	vld [tilespmem:s15+$0x3060]  }
0x13a: {  	s19 =	sor.u32 s17, s16;
	v6 =	vld [tilespmem:s15+$0x3070]  }
0x13b: {  	v22 =	vld [tilespmem:s19+$0x3840]  }
0x13c: {  	v25 =	vld [tilespmem:s19+$0x3850]  }
0x13d: {  	v26 =	vld [tilespmem:s19+$0x3800]  }
0x13e: {  	v28 =	vld [tilespmem:s19+$0x3810]  }
0x13f: {  	v23 =	vld [tilespmem:s19+$0x3400]  }
0x140: {  	v27 =	vld [tilespmem:s19+$0x3440]  }
0x141: {  	v20 =	vld [tilespmem:s19+$0x3410]  }
0x142: {  	v24 =	vld [tilespmem:s19+$0x3450]  }
0x143: {  	s18 =	smov.u32 s9;
	v19 =	vld [tilespmem:s19+$0x3420]  }
0x144: {  	s16 =	simm.s32 $0x1;
	s17 =	smov.u32 s13;
	v21 =	vld [tilespmem:s19+$0x3460];
	s15 =	simm.s32 $0x0  }
.LBB2_4:
0x145: {  	p0 =	sne.s32 s16, $0x14;
	v29 =	vld [tilespmem:s19+$0x3430]  }
0x146: {  	v22 =	vmul.f32 v22, v17;
	v25 =	vmul.f32 v25, v18;
	v30 =	vld [tilespmem:s19+$0x3470]  }
0x147: {  	v26 =	vmul.f32 v26, v15;
	v28 =	vmul.f32 v28, v16;
	v31 =	vld [tilespmem:s19+$0x3820]  }
0x148: {  	v23 =	vmul.f32 v23, v12;
	v27 =	vmul.f32 v27, v14;
	v32 =	vld [tilespmem:s19+$0x3830]  }
0x149: {  	v20 =	vmul.f32 v20, v10;
	v24 =	vmul.f32 v24, v13;
	v33 =	vld [tilespmem:s19+$0x3860]  }
0x14a: {  	v19 =	vmul.f32 v19, v7;
	v21 =	vmul.f32 v21, v11;
	v34 =	vld [tilespmem:s19+$0x3870]  }
0x14b: {  	v29 =	vmul.f32 v29, v3;
	v30 =	vmul.f32 v30, v8  }
0x14c: {  	v23 =	vadd.f32 v27, v23;
	v20 =	vadd.f32 v24, v20;
	v24 =	vmul.f32 v31, v9  }
0x14d: {  	v19 =	vadd.f32 v21, v19;
	v21 =	vadd.f32 v30, v29;
	v27 =	vmul.f32 v32, v4  }
0x14e: {  	v23 =	vadd.f32 v26, v23;
	v20 =	vadd.f32 v28, v20;
	v26 =	vmul.f32 v33, v5  }
0x14f: {  	v19 =	vadd.f32 v24, v19;
	v21 =	vadd.f32 v27, v21;
	v24 =	vmul.f32 v34, v6  }
0x150: {  	v22 =	vadd.f32 v22, v23;
	v20 =	vadd.f32 v25, v20  }
0x151: {  	v19 =	vadd.f32 v26, v19;
	v21 =	vadd.f32 v24, v21;
	_ =	sdelay $0x1  }
0x152: {  	v20 =	vadd.f32 v20, v22;
	v19 =	vadd.f32 v21, v19;
	_ =	sdelay $0x1  }
0x153: {  	v19 =	vadd.f32 v19, v20;
	_ =	sdelay $0x1  }
0x154: {  	(xrf2) =	vadd.scan.msk.f32 $0xffff, v19;
	_ =	sdelay $0x4  }
0x155: {  	s19 =	sadd.s32 s15, s12;
	s15 =	smov.u32 s16  }
0x156: {  	v19 =	vmov s19;
	_ =	sdelay $0x2  }
0x157: {  	s17 =	sadd.s32 $0x80, s17;
	s18 =	sadd.s32 $0x100, s18  }
0x158: {  	s20 =	sand.u32 $0x380, s17;
	s19 =	sand.u32 $0x1F800, s18;
	v20, _, _ =	vpop (xrf2)  }
0x159: {  	s19 =	sor.u32 s20, s19;
	[tilespmem:v19+s3+$0x0] =	vst.idx.msk vm1, v20  }
0x15a: {  	v22 =	vld [tilespmem:s19+$0x3840]  }
0x15b: {  	v25 =	vld [tilespmem:s19+$0x3850]  }
0x15c: {  	v26 =	vld [tilespmem:s19+$0x3800]  }
0x15d: {  	v28 =	vld [tilespmem:s19+$0x3810]  }
0x15e: {  	v23 =	vld [tilespmem:s19+$0x3400]  }
.Ltmp0:
0x15f: {  	v27 =	vld [tilespmem:s19+$0x3440];
	(pc) =	sbr.rel @p0 .LBB2_4-.Ltmp0, $4  }
0x160: {  	v20 =	vld [tilespmem:s19+$0x3410]  }
0x161: {  	v24 =	vld [tilespmem:s19+$0x3450]  }
0x162: {  	v19 =	vld [tilespmem:s19+$0x3420]  }
0x163: {  	s16 =	sadd.s32 $0x1, s16;
	v21 =	vld [tilespmem:s19+$0x3460]  }
0x164: {  	v29 =	vld [tilespmem:s19+$0x3430]  }
0x165: {  	v30 =	vld [tilespmem:s19+$0x3470];
	v17 =	vmul.f32 v22, v17;
	v18 =	vmul.f32 v25, v18  }
0x166: {  	v15 =	vmul.f32 v26, v15;
	v16 =	vmul.f32 v28, v16;
	v54 =	vld [tilespmem:s19+$0x3820]  }
0x167: {  	v12 =	vmul.f32 v23, v12;
	v14 =	vmul.f32 v27, v14;
	v55 =	vld [tilespmem:s19+$0x3830]  }
0x168: {  	v56 =	vld [tilespmem:s19+$0x3860];
	v10 =	vmul.f32 v20, v10;
	v13 =	vmul.f32 v24, v13  }
0x169: {  	v57 =	vld [tilespmem:s19+$0x3870];
	v7 =	vmul.f32 v19, v7;
	v11 =	vmul.f32 v21, v11  }
0x16a: {  	v3 =	vmul.f32 v29, v3;
	v8 =	vmul.f32 v30, v8  }
0x16b: {  	v12 =	vadd.f32 v14, v12;
	v10 =	vadd.f32 v13, v10;
	v9 =	vmul.f32 v54, v9  }
0x16c: {  	v4 =	vmul.f32 v55, v4;
	v7 =	vadd.f32 v11, v7;
	v3 =	vadd.f32 v8, v3  }
0x16d: {  	v58 =	vadd.f32 v15, v12;
	v5 =	vmul.f32 v56, v5;
	v10 =	vadd.f32 v16, v10  }
0x16e: {  	v59 =	vmul.f32 v57, v6;
	v7 =	vadd.f32 v9, v7;
	v3 =	vadd.f32 v4, v3  }
0x16f: {  	v60 =	vadd.f32 v17, v58;
	v61 =	vadd.f32 v18, v10  }
0x170: {  	v5 =	vadd.f32 v5, v7;
	v3 =	vadd.f32 v59, v3;
	_ =	sdelay $0x1  }
0x171: {  	v62 =	vadd.f32 v61, v60;
	v3 =	vadd.f32 v3, v5;
	_ =	sdelay $0x1  }
0x172: {  	v3 =	vadd.f32 v3, v62;
	_ =	sdelay $0x1  }
0x173: {  	(xrf2) =	vadd.scan.msk.f32 $0xffff, v3;
	_ =	sdelay $0x4  }
0x174: {  	s15 =	sadd.s32 s15, s12;
	s14 =	sadd.s32 $0x1, s14  }
0x175: {  	p0 =	sne.s32 s14, $0x8;
	v3 =	vmov s15  }
.Ltmp1:
0x176: {  	_ = 	snop;
	(pc) =	sbr.rel @p0 .LBB2_3-.Ltmp1, $3  }
0x177: {  	_ =	sdelay $0x1  }
0x178: {  	v63, _, _ =	vpop (xrf2)  }
0x179: {  	s13 =	sadd.s32 $0xA80, s13;
	s9 =	sadd.s32 $0x1500, s9;
	s12 =	sadd.s32 $0x15, s12;
	[tilespmem:v3+s3+$0x0] =	vst.idx.msk vm1, v63  }
0x17a: {  	s12 =	sshll.u32 s8, $0x4  }
0x17b: {  	s9 =	sadd.s32 s6, s12  }
0x17c: {  	s9 =	smul.u32 $0x15, s9;
	_ =	sdelay $0x1  }
0x17d: {  	s13 =	sshrl.u32 s9, $0x3  }
0x17e: {  	s20 =	simm.s32 $0x0;
	s9 =	sshll.u32 s8, $0x1;
	s13 =	sadd.s32 s5, s13  }
0x17f: {  	[hbm4b:s13+s20] =	stream.linear.scatter [tilespmem:s3], [sflag:$0x3], $0xA8, $0x38;
	[tilespmem:$0x18E00] =	vst v63  }
0x180: {  	s21 =	smin.u32 s9, $0x3D;
	_ =	swait.ge [sflag:s10], $0xA8  }
0x181: {  	s13 =	sadd.s32 $0x2, s21;
	[sflag:s10] =	ssyncset.done $0x0  }
0x182: {  	s14 =	sshll.u32 s13, $0x3;
	[sflag:s10] =	ssyncadd.s32 $0xFFFFFF58  }
0x183: {  	v3 =	vld.msk [tilespmem:s14+$0x0], $0xff;
	_ =	sdelay $0x4  }
0x184: {  	v4 =	vshll.u32 v3, $0x1  }
0x185: {  	v3 =	vand.u32 $0x7, v3;
	v4 =	vand.u32 $0xFFFFFFF0, v4  }
0x186: {  	v3 =	vor.u32 v3, v4  }
0x187: {  	v3 =	vperm.xlane v3, v0;
	_ =	sdelay $0x1  }
0x188: {  	v3 =	vadd.s32 v1, v3;
	_ =	sdelay $0x1  }
0x189: {  	s13 =	smul.u32 $0x2A0, s13;
	_ =	sdelay $0x1  }
0x18a: {  	s22 =	simm.s32 $0x2C00;
	s14 =	sshrl.u32 s13, $0x2  }
0x18b: {  	[tilespmem:s22], [sflag:$0x1] =	stream.indirect_vreg.gather [hbm4b:s1+s20], $0x80, v3, vm0, $0xb8;
	[tilespmem:$0x18E00] =	vst v63  }
0x18c: {  	v3 =	vld [tilespmem:s14+$0x200];
	_ =	sdelay $0x4  }
0x18d: {  	v52 =	vshll.u32 v3, $0x1  }
0x18e: {  	v3 =	vand.u32 $0x7, v3;
	v4 =	vand.u32 $0xFFFFFFF0, v52  }
0x18f: {  	v3 =	vor.u32 v3, v4  }
0x190: {  	v4 =	vperm.xlane v3, v0;
	_ =	sdelay $0x1  }
0x191: {  	v3 =	vperm.xlane v3, v2;
	v4 =	vadd.s32 v1, v4;
	_ =	sdelay $0x1  }
0x192: {  	v3 =	vadd.s32 v1, v3;
	_ =	sdelay $0x1  }
0x193: {  	s15 =	simm.s32 $0x3400  }
0x194: {  	[tilespmem:s15], [sflag:$0x1] =	stream.indirect_vreg.gather [hbm4b:s2+s20], $0x80, v4, vm0, $0xb8;
	[tilespmem:$0x18E00] =	vst v63  }
0x195: {  	s16 =	simm.s32 $0x3C00  }
0x196: {  	[tilespmem:s16], [sflag:$0x1] =	stream.indirect_vreg.gather [hbm4b:s2+s20], $0x80, v3, vm0, $0xb8;
	[tilespmem:$0x18E00] =	vst v63  }
0x197: {  	v3 =	vld [tilespmem:s14+$0x210];
	_ =	sdelay $0x4  }
0x198: {  	v53 =	vshll.u32 v3, $0x1  }
0x199: {  	v3 =	vand.u32 $0x7, v3;
	v4 =	vand.u32 $0xFFFFFFF0, v53  }
0x19a: {  	v3 =	vor.u32 v3, v4  }
0x19b: {  	v4 =	vperm.xlane v3, v0;
	_ =	sdelay $0x1  }
0x19c: {  	v3 =	vperm.xlane v3, v2;
	v4 =	vadd.s32 v1, v4;
	_ =	sdelay $0x1  }
0x19d: {  	v3 =	vadd.s32 v1, v3;
	_ =	sdelay $0x1  }
0x19e: {  	s17 =	simm.s32 $0x4400  }
0x19f: {  	[tilespmem:s17], [sflag:$0x1] =	stream.indirect_vreg.gather [hbm4b:s2+s20], $0x80, v4, vm0, $0xb8;
	[tilespmem:$0x18E00] =	vst v63  }
0x1a0: {  	s18 =	simm.s32 $0x4C00  }
0x1a1: {  	[tilespmem:s18], [sflag:$0x1] =	stream.indirect_vreg.gather [hbm4b:s2+s20], $0x80, v3, vm0, $0xb8;
	[tilespmem:$0x18E00] =	vst v63  }
0x1a2: {  	v3 =	vld [tilespmem:s14+$0x220];
	_ =	sdelay $0x4  }
0x1a3: {  	v54 =	vshll.u32 v3, $0x1  }
0x1a4: {  	v3 =	vand.u32 $0x7, v3;
	v4 =	vand.u32 $0xFFFFFFF0, v54  }
0x1a5: {  	v3 =	vor.u32 v3, v4  }
0x1a6: {  	v4 =	vperm.xlane v3, v0;
	_ =	sdelay $0x1  }
0x1a7: {  	v3 =	vperm.xlane v3, v2;
	v4 =	vadd.s32 v1, v4;
	_ =	sdelay $0x1  }
0x1a8: {  	v3 =	vadd.s32 v1, v3;
	_ =	sdelay $0x1  }
0x1a9: {  	s19 =	simm.s32 $0x5400  }
0x1aa: {  	[tilespmem:s19], [sflag:$0x1] =	stream.indirect_vreg.gather [hbm4b:s2+s20], $0x80, v4, vm0, $0xb8;
	[tilespmem:$0x18E00] =	vst v63  }
0x1ab: {  	s21 =	simm.s32 $0x5C00  }
0x1ac: {  	[tilespmem:s21], [sflag:$0x1] =	stream.indirect_vreg.gather [hbm4b:s2+s20], $0x80, v3, vm0, $0xb8;
	[tilespmem:$0x18E00] =	vst v63  }
0x1ad: {  	v3 =	vld.msk [tilespmem:s14+$0x230], $0xff;
	_ =	sdelay $0x4  }
0x1ae: {  	v55 =	vshll.u32 v3, $0x1  }
0x1af: {  	v3 =	vand.u32 $0x7, v3;
	v4 =	vand.u32 $0xFFFFFFF0, v55  }
0x1b0: {  	v3 =	vor.u32 v3, v4  }
0x1b1: {  	v3 =	vperm.xlane v3, v0;
	_ =	sdelay $0x1  }
0x1b2: {  	v3 =	vadd.s32 v1, v3;
	_ =	sdelay $0x3  }
0x1b3: {  	s22 =	simm.s32 $0x6400  }
0x1b4: {  	[tilespmem:s22], [sflag:$0x1] =	stream.indirect_vreg.gather [hbm4b:s2+s20], $0x80, v3, vm0, $0xb8;
	[tilespmem:$0x18E00] =	vst v63  }
0x1b5: {  	v3 =	vld [tilespmem:s14+$0x238];
	_ =	sdelay $0x4  }
0x1b6: {  	v56 =	vshll.u32 v3, $0x1  }
0x1b7: {  	v3 =	vand.u32 $0x7, v3;
	v4 =	vand.u32 $0xFFFFFFF0, v56  }
0x1b8: {  	v3 =	vor.u32 v3, v4  }
0x1b9: {  	v4 =	vperm.xlane v3, v0;
	_ =	sdelay $0x1  }
0x1ba: {  	v3 =	vperm.xlane v3, v2;
	v4 =	vadd.s32 v1, v4;
	_ =	sdelay $0x1  }
0x1bb: {  	v3 =	vadd.s32 v1, v3;
	_ =	sdelay $0x1  }
0x1bc: {  	s15 =	simm.s32 $0x6C00  }
0x1bd: {  	[tilespmem:s15], [sflag:$0x1] =	stream.indirect_vreg.gather [hbm4b:s2+s20], $0x80, v4, vm0, $0xb8;
	[tilespmem:$0x18E00] =	vst v63  }
0x1be: {  	s16 =	simm.s32 $0x7400  }
0x1bf: {  	[tilespmem:s16], [sflag:$0x1] =	stream.indirect_vreg.gather [hbm4b:s2+s20], $0x80, v3, vm0, $0xb8;
	[tilespmem:$0x18E00] =	vst v63  }
0x1c0: {  	v3 =	vld [tilespmem:s14+$0x248];
	_ =	sdelay $0x4  }
0x1c1: {  	v57 =	vshll.u32 v3, $0x1  }
0x1c2: {  	v3 =	vand.u32 $0x7, v3;
	v4 =	vand.u32 $0xFFFFFFF0, v57  }
0x1c3: {  	v3 =	vor.u32 v3, v4  }
0x1c4: {  	v4 =	vperm.xlane v3, v0;
	_ =	sdelay $0x1  }
0x1c5: {  	v3 =	vperm.xlane v3, v2;
	v4 =	vadd.s32 v1, v4;
	_ =	sdelay $0x1  }
0x1c6: {  	v3 =	vadd.s32 v1, v3;
	_ =	sdelay $0x1  }
0x1c7: {  	s17 =	simm.s32 $0x7C00  }
0x1c8: {  	[tilespmem:s17], [sflag:$0x1] =	stream.indirect_vreg.gather [hbm4b:s2+s20], $0x80, v4, vm0, $0xb8;
	[tilespmem:$0x18E00] =	vst v63  }
0x1c9: {  	s18 =	simm.s32 $0x8400  }
0x1ca: {  	[tilespmem:s18], [sflag:$0x1] =	stream.indirect_vreg.gather [hbm4b:s2+s20], $0x80, v3, vm0, $0xb8;
	[tilespmem:$0x18E00] =	vst v63  }
0x1cb: {  	v3 =	vld [tilespmem:s14+$0x258];
	_ =	sdelay $0x4  }
0x1cc: {  	v58 =	vshll.u32 v3, $0x1  }
0x1cd: {  	v3 =	vand.u32 $0x7, v3;
	v4 =	vand.u32 $0xFFFFFFF0, v58  }
0x1ce: {  	v3 =	vor.u32 v3, v4  }
0x1cf: {  	v4 =	vperm.xlane v3, v0;
	_ =	sdelay $0x1  }
0x1d0: {  	v3 =	vperm.xlane v3, v2;
	v4 =	vadd.s32 v1, v4;
	_ =	sdelay $0x1  }
0x1d1: {  	v3 =	vadd.s32 v1, v3;
	_ =	sdelay $0x1  }
0x1d2: {  	s19 =	simm.s32 $0x8C00  }
0x1d3: {  	[tilespmem:s19], [sflag:$0x1] =	stream.indirect_vreg.gather [hbm4b:s2+s20], $0x80, v4, vm0, $0xb8;
	[tilespmem:$0x18E00] =	vst v63  }
0x1d4: {  	s21 =	simm.s32 $0x9400  }
0x1d5: {  	[tilespmem:s21], [sflag:$0x1] =	stream.indirect_vreg.gather [hbm4b:s2+s20], $0x80, v3, vm0, $0xb8;
	[tilespmem:$0x18E00] =	vst v63  }
0x1d6: {  	v3 =	vld.msk [tilespmem:s14+$0x268], $0xff;
	_ =	sdelay $0x4  }
0x1d7: {  	v59 =	vshll.u32 v3, $0x1  }
0x1d8: {  	v3 =	vand.u32 $0x7, v3;
	v4 =	vand.u32 $0xFFFFFFF0, v59  }
0x1d9: {  	v3 =	vor.u32 v3, v4  }
0x1da: {  	v3 =	vperm.xlane v3, v0;
	_ =	sdelay $0x1  }
0x1db: {  	v3 =	vadd.s32 v1, v3;
	_ =	sdelay $0x3  }
0x1dc: {  	s22 =	simm.s32 $0x9C00  }
0x1dd: {  	[tilespmem:s22], [sflag:$0x1] =	stream.indirect_vreg.gather [hbm4b:s2+s20], $0x80, v3, vm0, $0xb8;
	[tilespmem:$0x18E00] =	vst v63  }
0x1de: {  	v3 =	vld [tilespmem:s14+$0x270];
	_ =	sdelay $0x4  }
0x1df: {  	v60 =	vshll.u32 v3, $0x1  }
0x1e0: {  	v3 =	vand.u32 $0x7, v3;
	v4 =	vand.u32 $0xFFFFFFF0, v60  }
0x1e1: {  	v3 =	vor.u32 v3, v4  }
0x1e2: {  	v4 =	vperm.xlane v3, v0;
	_ =	sdelay $0x1  }
0x1e3: {  	v3 =	vperm.xlane v3, v2;
	v4 =	vadd.s32 v1, v4;
	_ =	sdelay $0x1  }
0x1e4: {  	v3 =	vadd.s32 v1, v3;
	_ =	sdelay $0x1  }
0x1e5: {  	s15 =	simm.s32 $0xA400  }
0x1e6: {  	[tilespmem:s15], [sflag:$0x1] =	stream.indirect_vreg.gather [hbm4b:s2+s20], $0x80, v4, vm0, $0xb8;
	[tilespmem:$0x18E00] =	vst v63  }
0x1e7: {  	s16 =	simm.s32 $0xAC00  }
0x1e8: {  	[tilespmem:s16], [sflag:$0x1] =	stream.indirect_vreg.gather [hbm4b:s2+s20], $0x80, v3, vm0, $0xb8;
	[tilespmem:$0x18E00] =	vst v63  }
0x1e9: {  	v3 =	vld [tilespmem:s14+$0x280];
	_ =	sdelay $0x4  }
0x1ea: {  	v61 =	vshll.u32 v3, $0x1  }
0x1eb: {  	v3 =	vand.u32 $0x7, v3;
	v4 =	vand.u32 $0xFFFFFFF0, v61  }
0x1ec: {  	v3 =	vor.u32 v3, v4  }
0x1ed: {  	v4 =	vperm.xlane v3, v0;
	_ =	sdelay $0x1  }
0x1ee: {  	v3 =	vperm.xlane v3, v2;
	v4 =	vadd.s32 v1, v4;
	_ =	sdelay $0x1  }
0x1ef: {  	v3 =	vadd.s32 v1, v3;
	_ =	sdelay $0x1  }
0x1f0: {  	s17 =	simm.s32 $0xB400  }
0x1f1: {  	[tilespmem:s17], [sflag:$0x1] =	stream.indirect_vreg.gather [hbm4b:s2+s20], $0x80, v4, vm0, $0xb8;
	[tilespmem:$0x18E00] =	vst v63  }
0x1f2: {  	s18 =	simm.s32 $0xBC00  }
0x1f3: {  	[tilespmem:s18], [sflag:$0x1] =	stream.indirect_vreg.gather [hbm4b:s2+s20], $0x80, v3, vm0, $0xb8;
	[tilespmem:$0x18E00] =	vst v63  }
0x1f4: {  	v3 =	vld [tilespmem:s14+$0x290];
	_ =	sdelay $0x4  }
0x1f5: {  	v62 =	vshll.u32 v3, $0x1  }
0x1f6: {  	v3 =	vand.u32 $0x7, v3;
	v4 =	vand.u32 $0xFFFFFFF0, v62  }
0x1f7: {  	v3 =	vor.u32 v3, v4  }
0x1f8: {  	v4 =	vperm.xlane v3, v0;
	_ =	sdelay $0x1  }
0x1f9: {  	v3 =	vperm.xlane v3, v2;
	v4 =	vadd.s32 v1, v4;
	_ =	sdelay $0x1  }
0x1fa: {  	v3 =	vadd.s32 v1, v3;
	_ =	sdelay $0x1  }
0x1fb: {  	s19 =	simm.s32 $0xC400  }
0x1fc: {  	[tilespmem:s19], [sflag:$0x1] =	stream.indirect_vreg.gather [hbm4b:s2+s20], $0x80, v4, vm0, $0xb8;
	[tilespmem:$0x18E00] =	vst v63  }
0x1fd: {  	s21 =	simm.s32 $0xCC00  }
0x1fe: {  	[tilespmem:s21], [sflag:$0x1] =	stream.indirect_vreg.gather [hbm4b:s2+s20], $0x80, v3, vm0, $0xb8;
	[tilespmem:$0x18E00] =	vst v63  }
0x1ff: {  	v3 =	vld.msk [tilespmem:s14+$0x2A0], $0xff;
	_ =	sdelay $0x4  }
0x200: {  	v63 =	vshll.u32 v3, $0x1  }
0x201: {  	v3 =	vand.u32 $0x7, v3;
	v4 =	vand.u32 $0xFFFFFFF0, v63  }
0x202: {  	v3 =	vor.u32 v3, v4  }
0x203: {  	v3 =	vperm.xlane v3, v0;
	_ =	sdelay $0x1  }
0x204: {  	v3 =	vadd.s32 v1, v3;
	_ =	sdelay $0x3  }
0x205: {  	s22 =	simm.s32 $0xD400  }
0x206: {  	[tilespmem:s22], [sflag:$0x1] =	stream.indirect_vreg.gather [hbm4b:s2+s20], $0x80, v3, vm0, $0xb8;
	[tilespmem:$0x18E00] =	vst v63  }
0x207: {  	_ =	swait.ge [sflag:s11], $0x800  }
0x208: {  	[sflag:s11] =	ssyncset.done $0x0  }
0x209: {  	[sflag:s11] =	ssyncadd.s32 $0xFFFFF800  }
0x20a: {  	_ =	swait.ge [sflag:s11], $0x3800  }
0x20b: {  	[sflag:s11] =	ssyncset.done $0x0  }
0x20c: {  	[sflag:s11] =	ssyncadd.s32 $0xFFFFC800  }
0x20d: {  	_ =	swait.ge [sflag:s11], $0x3800  }
0x20e: {  	[sflag:s11] =	ssyncset.done $0x0  }
0x20f: {  	[sflag:s11] =	ssyncadd.s32 $0xFFFFC800  }
0x210: {  	_ =	swait.ge [sflag:s11], $0x3800  }
0x211: {  	s16 =	simm.s32 $0x0;
	[sflag:s11] =	ssyncset.done $0x0  }
0x212: {  	s19 =	simm.s32 $0x0;
	s14 =	simm.s32 $0x0;
	[sflag:s11] =	ssyncadd.s32 $0xFFFFC800  }
.LBB2_7:
0x213: {  	s13 =	sshll.u32 s16, $0x7  }
0x214: {  	s13 =	sand.u32 $0x3FFFFF80, s13  }
0x215: {  	v12 =	vld [tilespmem:s13+$0xDD00]  }
0x216: {  	v10 =	vld [tilespmem:s13+$0xDD10]  }
0x217: {  	v7 =	vld [tilespmem:s13+$0xDD20]  }
0x218: {  	v3 =	vld [tilespmem:s13+$0xDD30]  }
0x219: {  	v14 =	vld [tilespmem:s13+$0xDD40]  }
0x21a: {  	v13 =	vld [tilespmem:s13+$0xDD50]  }
0x21b: {  	v11 =	vld [tilespmem:s13+$0xDD60]  }
0x21c: {  	v8 =	vld [tilespmem:s13+$0xDD70]  }
0x21d: {  	v15 =	vld [tilespmem:s13+$0xE100]  }
0x21e: {  	v16 =	vld [tilespmem:s13+$0xE110]  }
0x21f: {  	v9 =	vld [tilespmem:s13+$0xE120]  }
0x220: {  	v4 =	vld [tilespmem:s13+$0xE130]  }
0x221: {  	v17 =	vld [tilespmem:s13+$0xE140]  }
0x222: {  	v18 =	vld [tilespmem:s13+$0xE150]  }
0x223: {  	s15 =	sand.u32 $0x1F800, s20;
	s17 =	sand.u32 $0x380, s19;
	v5 =	vld [tilespmem:s13+$0xE160]  }
0x224: {  	s21 =	sor.u32 s17, s15;
	v6 =	vld [tilespmem:s13+$0xE170]  }
0x225: {  	v22 =	vld [tilespmem:s21+$0xE940]  }
0x226: {  	v25 =	vld [tilespmem:s21+$0xE950]  }
0x227: {  	v26 =	vld [tilespmem:s21+$0xE900]  }
0x228: {  	v28 =	vld [tilespmem:s21+$0xE910]  }
0x229: {  	v23 =	vld [tilespmem:s21+$0xE500]  }
0x22a: {  	v27 =	vld [tilespmem:s21+$0xE540]  }
0x22b: {  	v20 =	vld [tilespmem:s21+$0xE510]  }
0x22c: {  	v24 =	vld [tilespmem:s21+$0xE550]  }
0x22d: {  	s18 =	simm.s32 $0x1;
	v19 =	vld [tilespmem:s21+$0xE520]  }
0x22e: {  	s17 =	simm.s32 $0x0;
	s15 =	smov.u32 s19;
	v21 =	vld [tilespmem:s21+$0xE560];
	s13 =	smov.u32 s20  }
.LBB2_8:
0x22f: {  	p0 =	sne.s32 s18, $0x14;
	v29 =	vld [tilespmem:s21+$0xE530]  }
0x230: {  	v22 =	vmul.f32 v22, v17;
	v25 =	vmul.f32 v25, v18;
	v30 =	vld [tilespmem:s21+$0xE570]  }
0x231: {  	v26 =	vmul.f32 v26, v15;
	v28 =	vmul.f32 v28, v16;
	v31 =	vld [tilespmem:s21+$0xE920]  }
0x232: {  	v23 =	vmul.f32 v23, v12;
	v27 =	vmul.f32 v27, v14;
	v32 =	vld [tilespmem:s21+$0xE930]  }
0x233: {  	v20 =	vmul.f32 v20, v10;
	v24 =	vmul.f32 v24, v13;
	v33 =	vld [tilespmem:s21+$0xE960]  }
0x234: {  	v19 =	vmul.f32 v19, v7;
	v21 =	vmul.f32 v21, v11;
	v34 =	vld [tilespmem:s21+$0xE970]  }
0x235: {  	v29 =	vmul.f32 v29, v3;
	v30 =	vmul.f32 v30, v8  }
0x236: {  	v23 =	vadd.f32 v27, v23;
	v20 =	vadd.f32 v24, v20;
	v24 =	vmul.f32 v31, v9  }
0x237: {  	v19 =	vadd.f32 v21, v19;
	v21 =	vadd.f32 v30, v29;
	v27 =	vmul.f32 v32, v4  }
0x238: {  	v23 =	vadd.f32 v26, v23;
	v20 =	vadd.f32 v28, v20;
	v26 =	vmul.f32 v33, v5  }
0x239: {  	v19 =	vadd.f32 v24, v19;
	v21 =	vadd.f32 v27, v21;
	v24 =	vmul.f32 v34, v6  }
0x23a: {  	v22 =	vadd.f32 v22, v23;
	v20 =	vadd.f32 v25, v20  }
0x23b: {  	v19 =	vadd.f32 v26, v19;
	v21 =	vadd.f32 v24, v21;
	_ =	sdelay $0x1  }
0x23c: {  	v20 =	vadd.f32 v20, v22;
	v19 =	vadd.f32 v21, v19;
	_ =	sdelay $0x1  }
0x23d: {  	v19 =	vadd.f32 v19, v20;
	_ =	sdelay $0x1  }
0x23e: {  	(xrf2) =	vadd.scan.msk.f32 $0xffff, v19;
	_ =	sdelay $0x4  }
0x23f: {  	s21 =	sadd.s32 s17, s14;
	s17 =	smov.u32 s18  }
0x240: {  	v19 =	vmov s21;
	_ =	sdelay $0x2  }
0x241: {  	s15 =	sadd.s32 $0x80, s15;
	s13 =	sadd.s32 $0x100, s13  }
0x242: {  	s22 =	sand.u32 $0x380, s15;
	s21 =	sand.u32 $0x1F800, s13;
	v20, _, _ =	vpop (xrf2)  }
0x243: {  	s21 =	sor.u32 s22, s21;
	[tilespmem:v19+s7+$0x0] =	vst.idx.msk vm1, v20  }
0x244: {  	v22 =	vld [tilespmem:s21+$0xE940]  }
0x245: {  	v25 =	vld [tilespmem:s21+$0xE950]  }
0x246: {  	v26 =	vld [tilespmem:s21+$0xE900]  }
0x247: {  	v28 =	vld [tilespmem:s21+$0xE910]  }
0x248: {  	v23 =	vld [tilespmem:s21+$0xE500]  }
.Ltmp2:
0x249: {  	v27 =	vld [tilespmem:s21+$0xE540];
	(pc) =	sbr.rel @p0 .LBB2_8-.Ltmp2, $4  }
0x24a: {  	v20 =	vld [tilespmem:s21+$0xE510]  }
0x24b: {  	v24 =	vld [tilespmem:s21+$0xE550]  }
0x24c: {  	v19 =	vld [tilespmem:s21+$0xE520]  }
0x24d: {  	s18 =	sadd.s32 $0x1, s18;
	v21 =	vld [tilespmem:s21+$0xE560]  }
0x24e: {  	v29 =	vld [tilespmem:s21+$0xE530]  }
0x24f: {  	v30 =	vld [tilespmem:s21+$0xE570];
	v17 =	vmul.f32 v22, v17;
	v18 =	vmul.f32 v25, v18  }
0x250: {  	v15 =	vmul.f32 v26, v15;
	v16 =	vmul.f32 v28, v16;
	v54 =	vld [tilespmem:s21+$0xE920]  }
0x251: {  	v12 =	vmul.f32 v23, v12;
	v14 =	vmul.f32 v27, v14;
	v55 =	vld [tilespmem:s21+$0xE930]  }
0x252: {  	v56 =	vld [tilespmem:s21+$0xE960];
	v10 =	vmul.f32 v20, v10;
	v13 =	vmul.f32 v24, v13  }
0x253: {  	v57 =	vld [tilespmem:s21+$0xE970];
	v7 =	vmul.f32 v19, v7;
	v11 =	vmul.f32 v21, v11  }
0x254: {  	v3 =	vmul.f32 v29, v3;
	v8 =	vmul.f32 v30, v8  }
0x255: {  	v12 =	vadd.f32 v14, v12;
	v10 =	vadd.f32 v13, v10;
	v9 =	vmul.f32 v54, v9  }
0x256: {  	v4 =	vmul.f32 v55, v4;
	v7 =	vadd.f32 v11, v7;
	v3 =	vadd.f32 v8, v3  }
0x257: {  	v58 =	vadd.f32 v15, v12;
	v5 =	vmul.f32 v56, v5;
	v10 =	vadd.f32 v16, v10  }
0x258: {  	v59 =	vmul.f32 v57, v6;
	v7 =	vadd.f32 v9, v7;
	v3 =	vadd.f32 v4, v3  }
0x259: {  	v60 =	vadd.f32 v17, v58;
	v61 =	vadd.f32 v18, v10  }
0x25a: {  	v5 =	vadd.f32 v5, v7;
	v3 =	vadd.f32 v59, v3;
	_ =	sdelay $0x1  }
0x25b: {  	v62 =	vadd.f32 v61, v60;
	v3 =	vadd.f32 v3, v5;
	_ =	sdelay $0x1  }
0x25c: {  	v3 =	vadd.f32 v3, v62;
	_ =	sdelay $0x1  }
0x25d: {  	(xrf2) =	vadd.scan.msk.f32 $0xffff, v3;
	_ =	sdelay $0x4  }
0x25e: {  	s13 =	sadd.s32 s17, s14;
	s16 =	sadd.s32 $0x1, s16  }
0x25f: {  	p0 =	sne.s32 s16, $0x8;
	v3 =	vmov s13  }
.Ltmp3:
0x260: {  	_ = 	snop;
	(pc) =	sbr.rel @p0 .LBB2_7-.Ltmp3, $3  }
0x261: {  	_ =	sdelay $0x1  }
0x262: {  	v63, _, _ =	vpop (xrf2)  }
0x263: {  	s19 =	sadd.s32 $0xA80, s19;
	s20 =	sadd.s32 $0x1500, s20;
	s14 =	sadd.s32 $0x15, s14;
	[tilespmem:v3+s7+$0x0] =	vst.idx.msk vm1, v63  }
0x264: {  	s12 =	sadd.s32 s12, s6  }
0x265: {  	s12 =	smul.u32 $0x15, s12;
	_ =	sdelay $0x1  }
0x266: {  	s12 =	sadd.s32 $0xA8, s12  }
0x267: {  	s12 =	sshrl.u32 s12, $0x3  }
0x268: {  	s12 =	sadd.s32 s5, s12  }
0x269: {  	[hbm4b:s12+s4] =	stream.linear.scatter [tilespmem:s7], [sflag:$0x3], $0xA8, $0x38;
	[tilespmem:$0x18E00] =	vst v63  }
0x26a: {  	s9 =	smin.u32 s9, $0x3C;
	_ =	swait.ge [sflag:s10], $0xA8  }
0x26b: {  	s9 =	sadd.s32 $0x3, s9;
	[sflag:s10] =	ssyncset.done $0x0  }
0x26c: {  	s18 =	sshll.u32 s9, $0x3;
	[sflag:s10] =	ssyncadd.s32 $0xFFFFFF58  }
0x26d: {  	v3 =	vld.msk [tilespmem:s18+$0x0], $0xff;
	_ =	sdelay $0x4  }
0x26e: {  	v4 =	vshll.u32 v3, $0x1  }
0x26f: {  	v3 =	vand.u32 $0x7, v3;
	v4 =	vand.u32 $0xFFFFFFF0, v4  }
0x270: {  	v3 =	vor.u32 v3, v4  }
0x271: {  	v3 =	vperm.xlane v3, v0;
	_ =	sdelay $0x1  }
0x272: {  	v3 =	vadd.s32 v1, v3;
	_ =	sdelay $0x1  }
0x273: {  	s9 =	smul.u32 $0x2A0, s9;
	_ =	sdelay $0x1  }
0x274: {  	s19 =	simm.s32 $0xDD00;
	s9 =	sshrl.u32 s9, $0x2  }
0x275: {  	[tilespmem:s19], [sflag:$0x2] =	stream.indirect_vreg.gather [hbm4b:s1+s4], $0x80, v3, vm0, $0xb8;
	[tilespmem:$0x18E00] =	vst v63  }
0x276: {  	v3 =	vld [tilespmem:s9+$0x200];
	_ =	sdelay $0x4  }
0x277: {  	v52 =	vshll.u32 v3, $0x1  }
0x278: {  	v3 =	vand.u32 $0x7, v3;
	v4 =	vand.u32 $0xFFFFFFF0, v52  }
0x279: {  	v3 =	vor.u32 v3, v4  }
0x27a: {  	v4 =	vperm.xlane v3, v0;
	_ =	sdelay $0x1  }
0x27b: {  	v3 =	vperm.xlane v3, v2;
	v4 =	vadd.s32 v1, v4;
	_ =	sdelay $0x1  }
0x27c: {  	v3 =	vadd.s32 v1, v3;
	_ =	sdelay $0x1  }
0x27d: {  	s20 =	simm.s32 $0xE500  }
0x27e: {  	[tilespmem:s20], [sflag:$0x2] =	stream.indirect_vreg.gather [hbm4b:s2+s4], $0x80, v4, vm0, $0xb8;
	[tilespmem:$0x18E00] =	vst v63  }
0x27f: {  	s21 =	simm.s32 $0xED00  }
0x280: {  	[tilespmem:s21], [sflag:$0x2] =	stream.indirect_vreg.gather [hbm4b:s2+s4], $0x80, v3, vm0, $0xb8;
	[tilespmem:$0x18E00] =	vst v63  }
0x281: {  	v3 =	vld [tilespmem:s9+$0x210];
	_ =	sdelay $0x4  }
0x282: {  	v53 =	vshll.u32 v3, $0x1  }
0x283: {  	v3 =	vand.u32 $0x7, v3;
	v4 =	vand.u32 $0xFFFFFFF0, v53  }
0x284: {  	v3 =	vor.u32 v3, v4  }
0x285: {  	v4 =	vperm.xlane v3, v0;
	_ =	sdelay $0x1  }
0x286: {  	v3 =	vperm.xlane v3, v2;
	v4 =	vadd.s32 v1, v4;
	_ =	sdelay $0x1  }
0x287: {  	v3 =	vadd.s32 v1, v3;
	_ =	sdelay $0x1  }
0x288: {  	s22 =	simm.s32 $0xF500  }
0x289: {  	[tilespmem:s22], [sflag:$0x2] =	stream.indirect_vreg.gather [hbm4b:s2+s4], $0x80, v4, vm0, $0xb8;
	[tilespmem:$0x18E00] =	vst v63  }
0x28a: {  	s13 =	simm.s32 $0xFD00  }
0x28b: {  	[tilespmem:s13], [sflag:$0x2] =	stream.indirect_vreg.gather [hbm4b:s2+s4], $0x80, v3, vm0, $0xb8;
	[tilespmem:$0x18E00] =	vst v63  }
0x28c: {  	v3 =	vld [tilespmem:s9+$0x220];
	_ =	sdelay $0x4  }
0x28d: {  	v54 =	vshll.u32 v3, $0x1  }
0x28e: {  	v3 =	vand.u32 $0x7, v3;
	v4 =	vand.u32 $0xFFFFFFF0, v54  }
0x28f: {  	v3 =	vor.u32 v3, v4  }
0x290: {  	v4 =	vperm.xlane v3, v0;
	_ =	sdelay $0x1  }
0x291: {  	v3 =	vperm.xlane v3, v2;
	v4 =	vadd.s32 v1, v4;
	_ =	sdelay $0x1  }
0x292: {  	v3 =	vadd.s32 v1, v3;
	_ =	sdelay $0x1  }
0x293: {  	s14 =	simm.s32 $0x10500  }
0x294: {  	[tilespmem:s14], [sflag:$0x2] =	stream.indirect_vreg.gather [hbm4b:s2+s4], $0x80, v4, vm0, $0xb8;
	[tilespmem:$0x18E00] =	vst v63  }
0x295: {  	s15 =	simm.s32 $0x10D00  }
0x296: {  	[tilespmem:s15], [sflag:$0x2] =	stream.indirect_vreg.gather [hbm4b:s2+s4], $0x80, v3, vm0, $0xb8;
	[tilespmem:$0x18E00] =	vst v63  }
0x297: {  	v3 =	vld.msk [tilespmem:s9+$0x230], $0xff;
	_ =	sdelay $0x4  }
0x298: {  	v55 =	vshll.u32 v3, $0x1  }
0x299: {  	v3 =	vand.u32 $0x7, v3;
	v4 =	vand.u32 $0xFFFFFFF0, v55  }
0x29a: {  	v3 =	vor.u32 v3, v4  }
0x29b: {  	v3 =	vperm.xlane v3, v0;
	_ =	sdelay $0x1  }
0x29c: {  	v3 =	vadd.s32 v1, v3;
	_ =	sdelay $0x3  }
0x29d: {  	s16 =	simm.s32 $0x11500  }
0x29e: {  	[tilespmem:s16], [sflag:$0x2] =	stream.indirect_vreg.gather [hbm4b:s2+s4], $0x80, v3, vm0, $0xb8;
	[tilespmem:$0x18E00] =	vst v63  }
0x29f: {  	v3 =	vld [tilespmem:s9+$0x238];
	_ =	sdelay $0x4  }
0x2a0: {  	v56 =	vshll.u32 v3, $0x1  }
0x2a1: {  	v3 =	vand.u32 $0x7, v3;
	v4 =	vand.u32 $0xFFFFFFF0, v56  }
0x2a2: {  	v3 =	vor.u32 v3, v4  }
0x2a3: {  	v4 =	vperm.xlane v3, v0;
	_ =	sdelay $0x1  }
0x2a4: {  	v3 =	vperm.xlane v3, v2;
	v4 =	vadd.s32 v1, v4;
	_ =	sdelay $0x1  }
0x2a5: {  	v3 =	vadd.s32 v1, v3;
	_ =	sdelay $0x1  }
0x2a6: {  	s17 =	simm.s32 $0x11D00  }
0x2a7: {  	[tilespmem:s17], [sflag:$0x2] =	stream.indirect_vreg.gather [hbm4b:s2+s4], $0x80, v4, vm0, $0xb8;
	[tilespmem:$0x18E00] =	vst v63  }
0x2a8: {  	s18 =	simm.s32 $0x12500  }
0x2a9: {  	[tilespmem:s18], [sflag:$0x2] =	stream.indirect_vreg.gather [hbm4b:s2+s4], $0x80, v3, vm0, $0xb8;
	[tilespmem:$0x18E00] =	vst v63  }
0x2aa: {  	v3 =	vld [tilespmem:s9+$0x248];
	_ =	sdelay $0x4  }
0x2ab: {  	v57 =	vshll.u32 v3, $0x1  }
0x2ac: {  	v3 =	vand.u32 $0x7, v3;
	v4 =	vand.u32 $0xFFFFFFF0, v57  }
0x2ad: {  	v3 =	vor.u32 v3, v4  }
0x2ae: {  	v4 =	vperm.xlane v3, v0;
	_ =	sdelay $0x1  }
0x2af: {  	v3 =	vperm.xlane v3, v2;
	v4 =	vadd.s32 v1, v4;
	_ =	sdelay $0x1  }
0x2b0: {  	v3 =	vadd.s32 v1, v3;
	_ =	sdelay $0x1  }
0x2b1: {  	s19 =	simm.s32 $0x12D00  }
0x2b2: {  	[tilespmem:s19], [sflag:$0x2] =	stream.indirect_vreg.gather [hbm4b:s2+s4], $0x80, v4, vm0, $0xb8;
	[tilespmem:$0x18E00] =	vst v63  }
0x2b3: {  	s20 =	simm.s32 $0x13500  }
0x2b4: {  	[tilespmem:s20], [sflag:$0x2] =	stream.indirect_vreg.gather [hbm4b:s2+s4], $0x80, v3, vm0, $0xb8;
	[tilespmem:$0x18E00] =	vst v63  }
0x2b5: {  	v3 =	vld [tilespmem:s9+$0x258];
	_ =	sdelay $0x4  }
0x2b6: {  	v58 =	vshll.u32 v3, $0x1  }
0x2b7: {  	v3 =	vand.u32 $0x7, v3;
	v4 =	vand.u32 $0xFFFFFFF0, v58  }
0x2b8: {  	v3 =	vor.u32 v3, v4  }
0x2b9: {  	v4 =	vperm.xlane v3, v0;
	_ =	sdelay $0x1  }
0x2ba: {  	v3 =	vperm.xlane v3, v2;
	v4 =	vadd.s32 v1, v4;
	_ =	sdelay $0x1  }
0x2bb: {  	v3 =	vadd.s32 v1, v3;
	_ =	sdelay $0x1  }
0x2bc: {  	s21 =	simm.s32 $0x13D00  }
0x2bd: {  	[tilespmem:s21], [sflag:$0x2] =	stream.indirect_vreg.gather [hbm4b:s2+s4], $0x80, v4, vm0, $0xb8;
	[tilespmem:$0x18E00] =	vst v63  }
0x2be: {  	s22 =	simm.s32 $0x14500  }
0x2bf: {  	[tilespmem:s22], [sflag:$0x2] =	stream.indirect_vreg.gather [hbm4b:s2+s4], $0x80, v3, vm0, $0xb8;
	[tilespmem:$0x18E00] =	vst v63  }
0x2c0: {  	v3 =	vld.msk [tilespmem:s9+$0x268], $0xff;
	_ =	sdelay $0x4  }
0x2c1: {  	v59 =	vshll.u32 v3, $0x1  }
0x2c2: {  	v3 =	vand.u32 $0x7, v3;
	v4 =	vand.u32 $0xFFFFFFF0, v59  }
0x2c3: {  	v3 =	vor.u32 v3, v4  }
0x2c4: {  	v3 =	vperm.xlane v3, v0;
	_ =	sdelay $0x1  }
0x2c5: {  	v3 =	vadd.s32 v1, v3;
	_ =	sdelay $0x4  }
0x2c6: {  	[tilespmem:s23], [sflag:$0x2] =	stream.indirect_vreg.gather [hbm4b:s2+s4], $0x80, v3, vm0, $0xb8;
	[tilespmem:$0x18E00] =	vst v63  }
0x2c7: {  	v3 =	vld [tilespmem:s9+$0x270];
	_ =	sdelay $0x4  }
0x2c8: {  	v60 =	vshll.u32 v3, $0x1  }
0x2c9: {  	v3 =	vand.u32 $0x7, v3;
	v4 =	vand.u32 $0xFFFFFFF0, v60  }
0x2ca: {  	v3 =	vor.u32 v3, v4  }
0x2cb: {  	v4 =	vperm.xlane v3, v0;
	_ =	sdelay $0x1  }
0x2cc: {  	v3 =	vperm.xlane v3, v2;
	v4 =	vadd.s32 v1, v4;
	_ =	sdelay $0x1  }
0x2cd: {  	v3 =	vadd.s32 v1, v3;
	_ =	sdelay $0x2  }
0x2ce: {  	[tilespmem:s24], [sflag:$0x2] =	stream.indirect_vreg.gather [hbm4b:s2+s4], $0x80, v4, vm0, $0xb8;
	[tilespmem:$0x18E00] =	vst v63  }
0x2cf: {  	_ = 	snop  }
0x2d0: {  	[tilespmem:s25], [sflag:$0x2] =	stream.indirect_vreg.gather [hbm4b:s2+s4], $0x80, v3, vm0, $0xb8;
	[tilespmem:$0x18E00] =	vst v63  }
0x2d1: {  	v3 =	vld [tilespmem:s9+$0x280];
	_ =	sdelay $0x4  }
0x2d2: {  	v61 =	vshll.u32 v3, $0x1  }
0x2d3: {  	v3 =	vand.u32 $0x7, v3;
	v4 =	vand.u32 $0xFFFFFFF0, v61  }
0x2d4: {  	v3 =	vor.u32 v3, v4  }
0x2d5: {  	v4 =	vperm.xlane v3, v0;
	_ =	sdelay $0x1  }
0x2d6: {  	v3 =	vperm.xlane v3, v2;
	v4 =	vadd.s32 v1, v4;
	_ =	sdelay $0x1  }
0x2d7: {  	v3 =	vadd.s32 v1, v3;
	_ =	sdelay $0x2  }
0x2d8: {  	[tilespmem:s26], [sflag:$0x2] =	stream.indirect_vreg.gather [hbm4b:s2+s4], $0x80, v4, vm0, $0xb8;
	[tilespmem:$0x18E00] =	vst v63  }
0x2d9: {  	_ = 	snop  }
0x2da: {  	[tilespmem:s28], [sflag:$0x2] =	stream.indirect_vreg.gather [hbm4b:s2+s4], $0x80, v3, vm0, $0xb8;
	[tilespmem:$0x18E00] =	vst v63  }
0x2db: {  	v3 =	vld [tilespmem:s9+$0x290];
	_ =	sdelay $0x4  }
0x2dc: {  	v62 =	vshll.u32 v3, $0x1  }
0x2dd: {  	v3 =	vand.u32 $0x7, v3;
	v4 =	vand.u32 $0xFFFFFFF0, v62  }
0x2de: {  	v3 =	vor.u32 v3, v4  }
0x2df: {  	v4 =	vperm.xlane v3, v0;
	_ =	sdelay $0x1  }
0x2e0: {  	v3 =	vperm.xlane v3, v2;
	v4 =	vadd.s32 v1, v4;
	_ =	sdelay $0x1  }
0x2e1: {  	v3 =	vadd.s32 v1, v3;
	_ =	sdelay $0x2  }
0x2e2: {  	[tilespmem:s29], [sflag:$0x2] =	stream.indirect_vreg.gather [hbm4b:s2+s4], $0x80, v4, vm0, $0xb8;
	[tilespmem:$0x18E00] =	vst v63  }
0x2e3: {  	_ = 	snop  }
0x2e4: {  	[tilespmem:s30], [sflag:$0x2] =	stream.indirect_vreg.gather [hbm4b:s2+s4], $0x80, v3, vm0, $0xb8;
	[tilespmem:$0x18E00] =	vst v63  }
0x2e5: {  	v3 =	vld.msk [tilespmem:s9+$0x2A0], $0xff;
	_ =	sdelay $0x4  }
0x2e6: {  	v63 =	vshll.u32 v3, $0x1  }
0x2e7: {  	v3 =	vand.u32 $0x7, v3;
	v4 =	vand.u32 $0xFFFFFFF0, v63  }
0x2e8: {  	v3 =	vor.u32 v3, v4  }
0x2e9: {  	v3 =	vperm.xlane v3, v0  }
0x2ea: {  	s8 =	sadd.s32 $0x1, s8  }
0x2eb: {  	p0 =	sne.s32 s8, $0x20;
	v3 =	vadd.s32 v1, v3  }
.Ltmp4:
0x2ec: {  	_ = 	snop;
	(pc) =	sbr.rel @p0 .LBB2_2-.Ltmp4, $2  }
0x2ed: {  	_ =	sdelay $0x2  }
0x2ee: {  	[tilespmem:s31], [sflag:$0x2] =	stream.indirect_vreg.gather [hbm4b:s2+s4], $0x80, v3, vm0, $0xb8;
	[tilespmem:$0x18E00] =	vst v63  }
0x2ef: {  	_ =	swait.ge [sflag:s0], $0x800  }
0x2f0: {  	[sflag:s0] =	ssyncset.done $0x0  }
0x2f1: {  	[sflag:s0] =	ssyncadd.s32 $0xFFFFF800  }
0x2f2: {  	_ =	swait.ge [sflag:s0], $0x3800  }
0x2f3: {  	[sflag:s0] =	ssyncset.done $0x0  }
0x2f4: {  	[sflag:s0] =	ssyncadd.s32 $0xFFFFC800  }
0x2f5: {  	_ =	swait.ge [sflag:s0], $0x3800  }
0x2f6: {  	[sflag:s0] =	ssyncset.done $0x0  }
0x2f7: {  	[sflag:s0] =	ssyncadd.s32 $0xFFFFC800  }
0x2f8: {  	_ =	swait.ge [sflag:s0], $0x3800  }
0x2f9: {  	[sflag:s0] =	ssyncset.done $0x0  }
0x2fa: {  	[sflag:s0] =	ssyncadd.s32 $0xFFFFC800  }
0x2fb: {  	_ =	swait.ge [sflag:s11], $0x800  }
0x2fc: {  	[sflag:s11] =	ssyncset.done $0x0  }
0x2fd: {  	[sflag:s11] =	ssyncadd.s32 $0xFFFFF800  }
0x2fe: {  	_ =	swait.ge [sflag:s11], $0x3800  }
0x2ff: {  	[sflag:s11] =	ssyncset.done $0x0  }
0x300: {  	[sflag:s11] =	ssyncadd.s32 $0xFFFFC800  }
0x301: {  	_ =	swait.ge [sflag:s11], $0x3800  }
0x302: {  	[sflag:s11] =	ssyncset.done $0x0  }
0x303: {  	[sflag:s11] =	ssyncadd.s32 $0xFFFFC800  }
0x304: {  	_ =	swait.ge [sflag:s11], $0x3800  }
0x305: {  	s9 =	rddreg [dreg:$0x9]  }
0x306: {  	s8 =	rddreg [dreg:$0x8];
	s9 =	sadd.s32 $0x1, s9  }
0x307: {  	p0 =	sne.s32 s9, s8  }
.Ltmp5:
0x308: {  	_ = 	snop;
	(pc) =	sbr.rel @p0 .LBB2_1-.Ltmp5, $3  }
0x309: {  	_ =	sdelay $0x1  }
0x30a: {  	[sflag:s11] =	ssyncset.done $0x0  }
0x30b: {  	[sflag:s11] =	ssyncadd.s32 $0xFFFFC800  }
0x30c: {  	_ =	sfence.sel $0x180000  }
0x30d: {  	[bflag:$0x0] =	sbarrier.arrive $0xFFFF  }
0x30e: {  	_ =	strace $0x90000047  }
0x30f: {  	s0 =	stileid.u32;
	[bflag:$0x2] =	sbarrier.arrive $0xFFFF  }
0x310: {  	p0 =	sne.s32 s0, $0x0;
	s0 =	rddreg [dreg:$0x5]  }
0x311: {  	s0 =	sadd.s32 @!p0 $0x100000, s0  }
0x312: {  	[sflag:s0] =	ssyncadd.tile.s32 @!p0 $0x1;
	_ =	shalt  }
.Lfunc_end2:
_tile_overlayer_lowered:
.L_overlay_start_2:
0x313: {  	(tag) =	ssettag $0x2  }
0x314: {  	s0 =	rddreg [dreg:$0x0];
	s2 =	stileid.u32  }
0x315: {  	s1 =	rddreg [dreg:$0x1];
	p0 =	sne.s32 s2, $0x0  }
0x316: {  	s3 =	rddreg [dreg:$0x2];
	[bflag:$0x3] =	sbarrier.arrive $0xFFFF;
	s2 =	simm.s32 @!p0 $0x1C03  }
0x317: {  	[timem:s3], [sflag:s2] =	dma.local @!p0 [hbm:s0], s1  }
0x318: {  	s0 =	simm.s32 @!p0 $0x3  }
0x319: {  	_ =	swait.ge @!p0 [sflag:s0], s1  }
0x31a: {  	s1 =	ssub.s32 @!p0 $0x0, s1;
	[sflag:s0] =	ssyncset.done @!p0 $0x0  }
0x31b: {  	[sflag:s0] =	ssyncadd.s32 @!p0 s1  }
0x31c: {  	[bflag:$0x3] =	sbarrier.arrive $0xFFFF  }
0x31d: {  	_ =	shalt  }

</sc_bundles>
